<compile_context>
chip_gen: v7x
topology: tpu7x:2x2x1
jax: 0.10.2.dev20260603
libtpu: 0.0.44.dev20260713+nightly
codegen_flags: <defaults>
</compile_context>

<pallas_src>
import functools

import jax
import jax.numpy as jnp
from jax import lax
from jax.experimental import pallas as pl
from jax.experimental.pallas import tpu as pltpu
from jax.experimental.pallas import tpu_sc as plsc

NC = 2
NS = 16
L = 16
NW = NC * NS

B = 16384
D = 128
CHUNK = 64
PER_W = B // NW
NCHUNK = PER_W // CHUNK
NBUF = 7


def _gmf_body(users_hbm, items_hbm, utab_hbm, itab_hbm, out_hbm, *scratch):
    idx_u, idx_i = scratch[0], scratch[1]
    ru = list(scratch[2:2 + NBUF])
    ri = list(scratch[2 + NBUF:2 + 2 * NBUF])
    sem_x = scratch[2 + 2 * NBUF]
    sem_g = list(scratch[3 + 2 * NBUF:3 + 3 * NBUF])
    sem_o = list(scratch[3 + 3 * NBUF:3 + 4 * NBUF])

    wid = lax.axis_index("s") * NC + lax.axis_index("c")
    base_w = wid * PER_W
    cx_u = pltpu.async_copy(users_hbm.at[pl.ds(base_w, PER_W)], idx_u, sem_x)
    cx_i = pltpu.async_copy(items_hbm.at[pl.ds(base_w, PER_W)], idx_i, sem_x)
    cx_u.wait()
    cx_i.wait()

    def start_gathers(c):
        b = c % NBUF
        s = pl.ds(c * CHUNK, CHUNK)
        cu = pltpu.async_copy(utab_hbm.at[idx_u.at[s]], ru[b], sem_g[b])
        ci = pltpu.async_copy(itab_hbm.at[idx_i.at[s]], ri[b], sem_g[b])
        return cu, ci

    gathers = {c: start_gathers(c) for c in range(min(NBUF, NCHUNK))}
    out_copies = {}
    for c in range(NCHUNK):
        b = c % NBUF
        cu, ci = gathers[c]
        cu.wait()
        ci.wait()

        def mul_row(r, carry):
            for j in range(D // L):
                sl = pl.ds(j * L, L)
                ru[b][r, sl] = ru[b][r, sl] * ri[b][r, sl]
            return carry

        lax.fori_loop(0, CHUNK, mul_row, 0)
        out_copies[c] = pltpu.async_copy(
            ru[b], out_hbm.at[pl.ds(base_w + c * CHUNK, CHUNK)], sem_o[b])
        nxt = c + NBUF
        if nxt < NCHUNK:
            out_copies[c].wait()
            gathers[nxt] = start_gathers(nxt)
    for c in range(max(0, NCHUNK - NBUF), NCHUNK):
        out_copies[c].wait()


_gmf = functools.partial(
    pl.kernel,
    out_type=jax.ShapeDtypeStruct((B, D), jnp.float32),
    mesh=plsc.VectorSubcoreMesh(
        core_axis_name="c", subcore_axis_name="s",
        num_cores=NC, num_subcores=NS),
    scratch_types=(
        [pltpu.VMEM((PER_W,), jnp.int32)] * 2
        + [pltpu.VMEM((CHUNK, D), jnp.float32)] * (2 * NBUF)
        + [pltpu.SemaphoreType.DMA] * (1 + 2 * NBUF)
    ),
)(_gmf_body)


def kernel(users, items, user_table, item_table):
    return _gmf(users.astype(jnp.int32), items.astype(jnp.int32),
                user_table, item_table)

# --- scband reference (transcript-rebuilt; emitter-appended) ---
"""Pipeline reference for scband-gmf-39402029973805 (READ-ONLY COPY).

The authoritative reference and input builder live on the scoring server;
editing this copy changes nothing except your own understanding.
"""

import jax, jax.numpy as jnp
import numpy as np

NUM_USERS = 100000
NUM_ITEMS = 100000
EMBED_DIM = 128
BATCH = 16384


def setup_inputs(seed: int = 0) -> dict:
    key = jax.random.key(seed)
    k_u, k_i, k_ut, k_it = jax.random.split(key, 4)
    users = jax.random.randint(k_u, (BATCH,), 0, NUM_USERS, dtype=jnp.int64 if jax.config.jax_enable_x64 else jnp.int32)
    items = jax.random.randint(k_i, (BATCH,), 0, NUM_ITEMS, dtype=jnp.int64 if jax.config.jax_enable_x64 else jnp.int32)
    user_table = jax.random.normal(k_ut, (NUM_USERS, EMBED_DIM), dtype=jnp.float32)
    item_table = jax.random.normal(k_it, (NUM_ITEMS, EMBED_DIM), dtype=jnp.float32)
    return {"users": users, "items": items, "user_table": user_table, "item_table": item_table}


def reference(users, items, user_table, item_table):
    user_embeds = jnp.take(user_table, users, axis=0)
    item_embeds = jnp.take(item_table, items, axis=0)
    return user_embeds * item_embeds

if __name__ == "__main__":
    import jax
    _d = setup_inputs()
    print(jax.jit(kernel)(*tuple(_d.values())))

</pallas_src>

<mosaic_0001>
#map = affine_map<(d0, d1) -> (0)>
#map1 = affine_map<(d0, d1) -> (0, 0)>
module attributes {stable_mosaic.version = 14 : i64} {
  func.func @_gmf_body(%arg0: i32, %arg1: i32, %arg2: memref<16384xi32, #tpu.memory_space<hbm>>, %arg3: memref<16384xi32, #tpu.memory_space<hbm>>, %arg4: memref<100000x128xf32, #tpu.memory_space<hbm>>, %arg5: memref<100000x128xf32, #tpu.memory_space<hbm>>, %arg6: memref<16384x128xf32, #tpu.memory_space<hbm>>, %arg7: memref<512xi32, #tpu.memory_space<vmem>>, %arg8: memref<512xi32, #tpu.memory_space<vmem>>, %arg9: memref<64x128xf32, #tpu.memory_space<vmem>>, %arg10: memref<64x128xf32, #tpu.memory_space<vmem>>, %arg11: memref<64x128xf32, #tpu.memory_space<vmem>>, %arg12: memref<64x128xf32, #tpu.memory_space<vmem>>, %arg13: memref<64x128xf32, #tpu.memory_space<vmem>>, %arg14: memref<64x128xf32, #tpu.memory_space<vmem>>, %arg15: memref<64x128xf32, #tpu.memory_space<vmem>>, %arg16: memref<64x128xf32, #tpu.memory_space<vmem>>, %arg17: memref<64x128xf32, #tpu.memory_space<vmem>>, %arg18: memref<64x128xf32, #tpu.memory_space<vmem>>, %arg19: memref<64x128xf32, #tpu.memory_space<vmem>>, %arg20: memref<64x128xf32, #tpu.memory_space<vmem>>, %arg21: memref<64x128xf32, #tpu.memory_space<vmem>>, %arg22: memref<64x128xf32, #tpu.memory_space<vmem>>, %arg23: memref<!tpu.dma_semaphore, #tpu.memory_space<semaphore_mem>>, %arg24: memref<!tpu.dma_semaphore, #tpu.memory_space<semaphore_mem>>, %arg25: memref<!tpu.dma_semaphore, #tpu.memory_space<semaphore_mem>>, %arg26: memref<!tpu.dma_semaphore, #tpu.memory_space<semaphore_mem>>, %arg27: memref<!tpu.dma_semaphore, #tpu.memory_space<semaphore_mem>>, %arg28: memref<!tpu.dma_semaphore, #tpu.memory_space<semaphore_mem>>, %arg29: memref<!tpu.dma_semaphore, #tpu.memory_space<semaphore_mem>>, %arg30: memref<!tpu.dma_semaphore, #tpu.memory_space<semaphore_mem>>, %arg31: memref<!tpu.dma_semaphore, #tpu.memory_space<semaphore_mem>>, %arg32: memref<!tpu.dma_semaphore, #tpu.memory_space<semaphore_mem>>, %arg33: memref<!tpu.dma_semaphore, #tpu.memory_space<semaphore_mem>>, %arg34: memref<!tpu.dma_semaphore, #tpu.memory_space<semaphore_mem>>, %arg35: memref<!tpu.dma_semaphore, #tpu.memory_space<semaphore_mem>>, %arg36: memref<!tpu.dma_semaphore, #tpu.memory_space<semaphore_mem>>, %arg37: memref<!tpu.dma_semaphore, #tpu.memory_space<semaphore_mem>>) attributes {dimension_semantics = [#tpu.dimension_semantics<core_parallel>, #tpu.dimension_semantics<subcore_parallel>], iteration_bounds = array<i64: 2, 16>, scalar_prefetch = 0 : i64, scratch_operands = 31 : i64, tpu.core_type = #tpu.core_type<sc_vector_subcore>, window_params = [{transform_indices = #map}, {transform_indices = #map}, {transform_indices = #map1}, {transform_indices = #map1}, {transform_indices = #map1}]} {
    %mul3A = arith.constant 2 : i32
    %mul3A_0 = arith.muli %arg1, %mul3A : i32
    %add3A = arith.addi %mul3A_0, %arg0 : i32
    %mul3A_1 = arith.constant 512 : i32
    %mul3A_2 = arith.muli %add3A, %mul3A_1 : i32
    %dma_start3A = tpu.memref_slice %arg2[%mul3A_2] : memref<16384xi32, #tpu.memory_space<hbm>> -> memref<512xi32, #tpu.memory_space<hbm>>
    %dma_start3A_3 = tpu.memref_slice %arg2[%mul3A_2] : memref<16384xi32, #tpu.memory_space<hbm>> -> memref<512xi32, #tpu.memory_space<hbm>>
    tpu.enqueue_dma source(%dma_start3A_3 : memref<512xi32, #tpu.memory_space<hbm>>) target(%arg7 : memref<512xi32, #tpu.memory_space<vmem>>) target_semaphore(%arg23 : memref<!tpu.dma_semaphore, #tpu.memory_space<semaphore_mem>>)
    %dma_start3A_4 = tpu.memref_slice %arg3[%mul3A_2] : memref<16384xi32, #tpu.memory_space<hbm>> -> memref<512xi32, #tpu.memory_space<hbm>>
    %dma_start3A_5 = tpu.memref_slice %arg3[%mul3A_2] : memref<16384xi32, #tpu.memory_space<hbm>> -> memref<512xi32, #tpu.memory_space<hbm>>
    tpu.enqueue_dma source(%dma_start3A_5 : memref<512xi32, #tpu.memory_space<hbm>>) target(%arg8 : memref<512xi32, #tpu.memory_space<vmem>>) target_semaphore(%arg23 : memref<!tpu.dma_semaphore, #tpu.memory_space<semaphore_mem>>)
    %dma_wait3A = tpu.memref_slice %arg2[%mul3A_2] : memref<16384xi32, #tpu.memory_space<hbm>> -> memref<512xi32, #tpu.memory_space<hbm>>
    %dma_wait3A_6 = tpu.memref_slice %arg2[%mul3A_2] : memref<16384xi32, #tpu.memory_space<hbm>> -> memref<512xi32, #tpu.memory_space<hbm>>
    tpu.wait_dma2 semaphore(%arg23 : memref<!tpu.dma_semaphore, #tpu.memory_space<semaphore_mem>>) src(%dma_wait3A_6 : memref<512xi32, #tpu.memory_space<hbm>>) dst(%arg7 : memref<512xi32, #tpu.memory_space<vmem>>)
    %dma_wait3A_7 = tpu.memref_slice %arg3[%mul3A_2] : memref<16384xi32, #tpu.memory_space<hbm>> -> memref<512xi32, #tpu.memory_space<hbm>>
    %dma_wait3A_8 = tpu.memref_slice %arg3[%mul3A_2] : memref<16384xi32, #tpu.memory_space<hbm>> -> memref<512xi32, #tpu.memory_space<hbm>>
    tpu.wait_dma2 semaphore(%arg23 : memref<!tpu.dma_semaphore, #tpu.memory_space<semaphore_mem>>) src(%dma_wait3A_8 : memref<512xi32, #tpu.memory_space<hbm>>) dst(%arg8 : memref<512xi32, #tpu.memory_space<vmem>>)
    %dma_start3A_9 = arith.constant 0 : i32
    %dma_start3A_10 = tpu.memref_slice %arg7[%dma_start3A_9] : memref<512xi32, #tpu.memory_space<vmem>> -> memref<64xi32, #tpu.memory_space<vmem>>
    %dma_start3A_11 = arith.constant 0 : i32
    %dma_start3A_12 = arith.constant 0 : i32
    %dma_start3A_13 = tpu.memref_slice %arg4[%dma_start3A_11, %dma_start3A_12] : memref<100000x128xf32, #tpu.memory_space<hbm>> -> memref<100000x128xf32, #tpu.memory_space<hbm>>
    tpu.enqueue_indirect_dma source(%dma_start3A_13 : memref<100000x128xf32, #tpu.memory_space<hbm>>) target(%arg9 : memref<64x128xf32, #tpu.memory_space<vmem>>) offsets(%dma_start3A_10 : memref<64xi32, #tpu.memory_space<vmem>>) semaphore(%arg24 : memref<!tpu.dma_semaphore, #tpu.memory_space<semaphore_mem>>)
    %dma_start3A_14 = arith.constant 0 : i32
    %dma_start3A_15 = tpu.memref_slice %arg8[%dma_start3A_14] : memref<512xi32, #tpu.memory_space<vmem>> -> memref<64xi32, #tpu.memory_space<vmem>>
    %dma_start3A_16 = arith.constant 0 : i32
    %dma_start3A_17 = arith.constant 0 : i32
    %dma_start3A_18 = tpu.memref_slice %arg5[%dma_start3A_16, %dma_start3A_17] : memref<100000x128xf32, #tpu.memory_space<hbm>> -> memref<100000x128xf32, #tpu.memory_space<hbm>>
    tpu.enqueue_indirect_dma source(%dma_start3A_18 : memref<100000x128xf32, #tpu.memory_space<hbm>>) target(%arg16 : memref<64x128xf32, #tpu.memory_space<vmem>>) offsets(%dma_start3A_15 : memref<64xi32, #tpu.memory_space<vmem>>) semaphore(%arg24 : memref<!tpu.dma_semaphore, #tpu.memory_space<semaphore_mem>>)
    %dma_start3A_19 = arith.constant 64 : i32
    %dma_start3A_20 = tpu.memref_slice %arg7[%dma_start3A_19] : memref<512xi32, #tpu.memory_space<vmem>> -> memref<64xi32, #tpu.memory_space<vmem>>
    %dma_start3A_21 = arith.constant 0 : i32
    %dma_start3A_22 = arith.constant 0 : i32
    %dma_start3A_23 = tpu.memref_slice %arg4[%dma_start3A_21, %dma_start3A_22] : memref<100000x128xf32, #tpu.memory_space<hbm>> -> memref<100000x128xf32, #tpu.memory_space<hbm>>
    tpu.enqueue_indirect_dma source(%dma_start3A_23 : memref<100000x128xf32, #tpu.memory_space<hbm>>) target(%arg10 : memref<64x128xf32, #tpu.memory_space<vmem>>) offsets(%dma_start3A_20 : memref<64xi32, #tpu.memory_space<vmem>>) semaphore(%arg25 : memref<!tpu.dma_semaphore, #tpu.memory_space<semaphore_mem>>)
    %dma_start3A_24 = arith.constant 64 : i32
    %dma_start3A_25 = tpu.memref_slice %arg8[%dma_start3A_24] : memref<512xi32, #tpu.memory_space<vmem>> -> memref<64xi32, #tpu.memory_space<vmem>>
    %dma_start3A_26 = arith.constant 0 : i32
    %dma_start3A_27 = arith.constant 0 : i32
    %dma_start3A_28 = tpu.memref_slice %arg5[%dma_start3A_26, %dma_start3A_27] : memref<100000x128xf32, #tpu.memory_space<hbm>> -> memref<100000x128xf32, #tpu.memory_space<hbm>>
    tpu.enqueue_indirect_dma source(%dma_start3A_28 : memref<100000x128xf32, #tpu.memory_space<hbm>>) target(%arg17 : memref<64x128xf32, #tpu.memory_space<vmem>>) offsets(%dma_start3A_25 : memref<64xi32, #tpu.memory_space<vmem>>) semaphore(%arg25 : memref<!tpu.dma_semaphore, #tpu.memory_space<semaphore_mem>>)
    %dma_start3A_29 = arith.constant 128 : i32
    %dma_start3A_30 = tpu.memref_slice %arg7[%dma_start3A_29] : memref<512xi32, #tpu.memory_space<vmem>> -> memref<64xi32, #tpu.memory_space<vmem>>
    %dma_start3A_31 = arith.constant 0 : i32
    %dma_start3A_32 = arith.constant 0 : i32
    %dma_start3A_33 = tpu.memref_slice %arg4[%dma_start3A_31, %dma_start3A_32] : memref<100000x128xf32, #tpu.memory_space<hbm>> -> memref<100000x128xf32, #tpu.memory_space<hbm>>
    tpu.enqueue_indirect_dma source(%dma_start3A_33 : memref<100000x128xf32, #tpu.memory_space<hbm>>) target(%arg11 : memref<64x128xf32, #tpu.memory_space<vmem>>) offsets(%dma_start3A_30 : memref<64xi32, #tpu.memory_space<vmem>>) semaphore(%arg26 : memref<!tpu.dma_semaphore, #tpu.memory_space<semaphore_mem>>)
    %dma_start3A_34 = arith.constant 128 : i32
    %dma_start3A_35 = tpu.memref_slice %arg8[%dma_start3A_34] : memref<512xi32, #tpu.memory_space<vmem>> -> memref<64xi32, #tpu.memory_space<vmem>>
    %dma_start3A_36 = arith.constant 0 : i32
    %dma_start3A_37 = arith.constant 0 : i32
    %dma_start3A_38 = tpu.memref_slice %arg5[%dma_start3A_36, %dma_start3A_37] : memref<100000x128xf32, #tpu.memory_space<hbm>> -> memref<100000x128xf32, #tpu.memory_space<hbm>>
    tpu.enqueue_indirect_dma source(%dma_start3A_38 : memref<100000x128xf32, #tpu.memory_space<hbm>>) target(%arg18 : memref<64x128xf32, #tpu.memory_space<vmem>>) offsets(%dma_start3A_35 : memref<64xi32, #tpu.memory_space<vmem>>) semaphore(%arg26 : memref<!tpu.dma_semaphore, #tpu.memory_space<semaphore_mem>>)
    %dma_start3A_39 = arith.constant 192 : i32
    %dma_start3A_40 = tpu.memref_slice %arg7[%dma_start3A_39] : memref<512xi32, #tpu.memory_space<vmem>> -> memref<64xi32, #tpu.memory_space<vmem>>
    %dma_start3A_41 = arith.constant 0 : i32
    %dma_start3A_42 = arith.constant 0 : i32
    %dma_start3A_43 = tpu.memref_slice %arg4[%dma_start3A_41, %dma_start3A_42] : memref<100000x128xf32, #tpu.memory_space<hbm>> -> memref<100000x128xf32, #tpu.memory_space<hbm>>
    tpu.enqueue_indirect_dma source(%dma_start3A_43 : memref<100000x128xf32, #tpu.memory_space<hbm>>) target(%arg12 : memref<64x128xf32, #tpu.memory_space<vmem>>) offsets(%dma_start3A_40 : memref<64xi32, #tpu.memory_space<vmem>>) semaphore(%arg27 : memref<!tpu.dma_semaphore, #tpu.memory_space<semaphore_mem>>)
    %dma_start3A_44 = arith.constant 192 : i32
    %dma_start3A_45 = tpu.memref_slice %arg8[%dma_start3A_44] : memref<512xi32, #tpu.memory_space<vmem>> -> memref<64xi32, #tpu.memory_space<vmem>>
    %dma_start3A_46 = arith.constant 0 : i32
    %dma_start3A_47 = arith.constant 0 : i32
    %dma_start3A_48 = tpu.memref_slice %arg5[%dma_start3A_46, %dma_start3A_47] : memref<100000x128xf32, #tpu.memory_space<hbm>> -> memref<100000x128xf32, #tpu.memory_space<hbm>>
    tpu.enqueue_indirect_dma source(%dma_start3A_48 : memref<100000x128xf32, #tpu.memory_space<hbm>>) target(%arg19 : memref<64x128xf32, #tpu.memory_space<vmem>>) offsets(%dma_start3A_45 : memref<64xi32, #tpu.memory_space<vmem>>) semaphore(%arg27 : memref<!tpu.dma_semaphore, #tpu.memory_space<semaphore_mem>>)
    %dma_start3A_49 = arith.constant 256 : i32
    %dma_start3A_50 = tpu.memref_slice %arg7[%dma_start3A_49] : memref<512xi32, #tpu.memory_space<vmem>> -> memref<64xi32, #tpu.memory_space<vmem>>
    %dma_start3A_51 = arith.constant 0 : i32
    %dma_start3A_52 = arith.constant 0 : i32
    %dma_start3A_53 = tpu.memref_slice %arg4[%dma_start3A_51, %dma_start3A_52] : memref<100000x128xf32, #tpu.memory_space<hbm>> -> memref<100000x128xf32, #tpu.memory_space<hbm>>
    tpu.enqueue_indirect_dma source(%dma_start3A_53 : memref<100000x128xf32, #tpu.memory_space<hbm>>) target(%arg13 : memref<64x128xf32, #tpu.memory_space<vmem>>) offsets(%dma_start3A_50 : memref<64xi32, #tpu.memory_space<vmem>>) semaphore(%arg28 : memref<!tpu.dma_semaphore, #tpu.memory_space<semaphore_mem>>)
    %dma_start3A_54 = arith.constant 256 : i32
    %dma_start3A_55 = tpu.memref_slice %arg8[%dma_start3A_54] : memref<512xi32, #tpu.memory_space<vmem>> -> memref<64xi32, #tpu.memory_space<vmem>>
    %dma_start3A_56 = arith.constant 0 : i32
    %dma_start3A_57 = arith.constant 0 : i32
    %dma_start3A_58 = tpu.memref_slice %arg5[%dma_start3A_56, %dma_start3A_57] : memref<100000x128xf32, #tpu.memory_space<hbm>> -> memref<100000x128xf32, #tpu.memory_space<hbm>>
    tpu.enqueue_indirect_dma source(%dma_start3A_58 : memref<100000x128xf32, #tpu.memory_space<hbm>>) target(%arg20 : memref<64x128xf32, #tpu.memory_space<vmem>>) offsets(%dma_start3A_55 : memref<64xi32, #tpu.memory_space<vmem>>) semaphore(%arg28 : memref<!tpu.dma_semaphore, #tpu.memory_space<semaphore_mem>>)
    %dma_start3A_59 = arith.constant 320 : i32
    %dma_start3A_60 = tpu.memref_slice %arg7[%dma_start3A_59] : memref<512xi32, #tpu.memory_space<vmem>> -> memref<64xi32, #tpu.memory_space<vmem>>
    %dma_start3A_61 = arith.constant 0 : i32
    %dma_start3A_62 = arith.constant 0 : i32
    %dma_start3A_63 = tpu.memref_slice %arg4[%dma_start3A_61, %dma_start3A_62] : memref<100000x128xf32, #tpu.memory_space<hbm>> -> memref<100000x128xf32, #tpu.memory_space<hbm>>
    tpu.enqueue_indirect_dma source(%dma_start3A_63 : memref<100000x128xf32, #tpu.memory_space<hbm>>) target(%arg14 : memref<64x128xf32, #tpu.memory_space<vmem>>) offsets(%dma_start3A_60 : memref<64xi32, #tpu.memory_space<vmem>>) semaphore(%arg29 : memref<!tpu.dma_semaphore, #tpu.memory_space<semaphore_mem>>)
    %dma_start3A_64 = arith.constant 320 : i32
    %dma_start3A_65 = tpu.memref_slice %arg8[%dma_start3A_64] : memref<512xi32, #tpu.memory_space<vmem>> -> memref<64xi32, #tpu.memory_space<vmem>>
    %dma_start3A_66 = arith.constant 0 : i32
    %dma_start3A_67 = arith.constant 0 : i32
    %dma_start3A_68 = tpu.memref_slice %arg5[%dma_start3A_66, %dma_start3A_67] : memref<100000x128xf32, #tpu.memory_space<hbm>> -> memref<100000x128xf32, #tpu.memory_space<hbm>>
    tpu.enqueue_indirect_dma source(%dma_start3A_68 : memref<100000x128xf32, #tpu.memory_space<hbm>>) target(%arg21 : memref<64x128xf32, #tpu.memory_space<vmem>>) offsets(%dma_start3A_65 : memref<64xi32, #tpu.memory_space<vmem>>) semaphore(%arg29 : memref<!tpu.dma_semaphore, #tpu.memory_space<semaphore_mem>>)
    %dma_start3A_69 = arith.constant 384 : i32
    %dma_start3A_70 = tpu.memref_slice %arg7[%dma_start3A_69] : memref<512xi32, #tpu.memory_space<vmem>> -> memref<64xi32, #tpu.memory_space<vmem>>
    %dma_start3A_71 = arith.constant 0 : i32
    %dma_start3A_72 = arith.constant 0 : i32
    %dma_start3A_73 = tpu.memref_slice %arg4[%dma_start3A_71, %dma_start3A_72] : memref<100000x128xf32, #tpu.memory_space<hbm>> -> memref<100000x128xf32, #tpu.memory_space<hbm>>
    tpu.enqueue_indirect_dma source(%dma_start3A_73 : memref<100000x128xf32, #tpu.memory_space<hbm>>) target(%arg15 : memref<64x128xf32, #tpu.memory_space<vmem>>) offsets(%dma_start3A_70 : memref<64xi32, #tpu.memory_space<vmem>>) semaphore(%arg30 : memref<!tpu.dma_semaphore, #tpu.memory_space<semaphore_mem>>)
    %dma_start3A_74 = arith.constant 384 : i32
    %dma_start3A_75 = tpu.memref_slice %arg8[%dma_start3A_74] : memref<512xi32, #tpu.memory_space<vmem>> -> memref<64xi32, #tpu.memory_space<vmem>>
    %dma_start3A_76 = arith.constant 0 : i32
    %dma_start3A_77 = arith.constant 0 : i32
    %dma_start3A_78 = tpu.memref_slice %arg5[%dma_start3A_76, %dma_start3A_77] : memref<100000x128xf32, #tpu.memory_space<hbm>> -> memref<100000x128xf32, #tpu.memory_space<hbm>>
    tpu.enqueue_indirect_dma source(%dma_start3A_78 : memref<100000x128xf32, #tpu.memory_space<hbm>>) target(%arg22 : memref<64x128xf32, #tpu.memory_space<vmem>>) offsets(%dma_start3A_75 : memref<64xi32, #tpu.memory_space<vmem>>) semaphore(%arg30 : memref<!tpu.dma_semaphore, #tpu.memory_space<semaphore_mem>>)
    %dma_wait3A_79 = arith.constant 0 : i32
    %dma_wait3A_80 = tpu.memref_slice %arg7[%dma_wait3A_79] : memref<512xi32, #tpu.memory_space<vmem>> -> memref<64xi32, #tpu.memory_space<vmem>>
    %dma_wait3A_81 = arith.constant 0 : i32
    %dma_wait3A_82 = arith.constant 0 : i32
    %dma_wait3A_83 = tpu.memref_slice %arg4[%dma_wait3A_81, %dma_wait3A_82] : memref<100000x128xf32, #tpu.memory_space<hbm>> -> memref<100000x128xf32, #tpu.memory_space<hbm>>
    tpu.wait_indirect_dma semaphore(%arg24 : memref<!tpu.dma_semaphore, #tpu.memory_space<semaphore_mem>>) src(%dma_wait3A_83 : memref<100000x128xf32, #tpu.memory_space<hbm>>) dst(%arg9 : memref<64x128xf32, #tpu.memory_space<vmem>>)
    %dma_wait3A_84 = arith.constant 0 : i32
    %dma_wait3A_85 = tpu.memref_slice %arg8[%dma_wait3A_84] : memref<512xi32, #tpu.memory_space<vmem>> -> memref<64xi32, #tpu.memory_space<vmem>>
    %dma_wait3A_86 = arith.constant 0 : i32
    %dma_wait3A_87 = arith.constant 0 : i32
    %dma_wait3A_88 = tpu.memref_slice %arg5[%dma_wait3A_86, %dma_wait3A_87] : memref<100000x128xf32, #tpu.memory_space<hbm>> -> memref<100000x128xf32, #tpu.memory_space<hbm>>
    tpu.wait_indirect_dma semaphore(%arg24 : memref<!tpu.dma_semaphore, #tpu.memory_space<semaphore_mem>>) src(%dma_wait3A_88 : memref<100000x128xf32, #tpu.memory_space<hbm>>) dst(%arg16 : memref<64x128xf32, #tpu.memory_space<vmem>>)
    %scan3A = arith.constant 0 : i32
    %scan3A_89 = arith.constant 0 : i32
    %scan3A_90 = arith.constant 64 : i32
    %scan3A_91 = arith.addi %scan3A_89, %scan3A_90 : i32
    %scan3A_92 = arith.constant 1 : i32
    scf.for %scan3A_296 = %scan3A_89 to %scan3A_91 step %scan3A_92  : i32 {
      %get3A = arith.index_cast %scan3A_296 : i32 to index
      %get3A_297 = arith.constant 0 : index
      %get3A_298 = tpu.vector_load %arg9[%get3A, %get3A_297] {strides = array<i32>} : memref<64x128xf32, #tpu.memory_space<vmem>>, vector<1x16xf32>,
      %get3A_299 = vector.shape_cast %get3A_298 : vector<1x16xf32> to vector<16xf32>
      %get3A_300 = arith.index_cast %scan3A_296 : i32 to index
      %get3A_301 = arith.constant 0 : index
      %get3A_302 = tpu.vector_load %arg16[%get3A_300, %get3A_301] {strides = array<i32>} : memref<64x128xf32, #tpu.memory_space<vmem>>, vector<1x16xf32>,
      %get3A_303 = vector.shape_cast %get3A_302 : vector<1x16xf32> to vector<16xf32>
      %mul3A_304 = arith.mulf %get3A_299, %get3A_303 : vector<16xf32>
      %swap3A = arith.index_cast %scan3A_296 : i32 to index
      %swap3A_305 = arith.constant 0 : index
      %swap3A_306 = tpu.vector_load %arg9[%swap3A, %swap3A_305] {strides = array<i32>} : memref<64x128xf32, #tpu.memory_space<vmem>>, vector<1x16xf32>,
      %swap3A_307 = vector.shape_cast %swap3A_306 : vector<1x16xf32> to vector<16xf32>
      %swap3A_308 = vector.shape_cast %mul3A_304 : vector<16xf32> to vector<1x16xf32>
      tpu.vector_store %arg9[%swap3A, %swap3A_305], %swap3A_308 {strides = array<i32>} : memref<64x128xf32, #tpu.memory_space<vmem>>, vector<1x16xf32>,
      %get3A_309 = arith.index_cast %scan3A_296 : i32 to index
      %get3A_310 = arith.constant 16 : index
      %get3A_311 = tpu.vector_load %arg9[%get3A_309, %get3A_310] {strides = array<i32>} : memref<64x128xf32, #tpu.memory_space<vmem>>, vector<1x16xf32>,
      %get3A_312 = vector.shape_cast %get3A_311 : vector<1x16xf32> to vector<16xf32>
      %get3A_313 = arith.index_cast %scan3A_296 : i32 to index
      %get3A_314 = arith.constant 16 : index
      %get3A_315 = tpu.vector_load %arg16[%get3A_313, %get3A_314] {strides = array<i32>} : memref<64x128xf32, #tpu.memory_space<vmem>>, vector<1x16xf32>,
      %get3A_316 = vector.shape_cast %get3A_315 : vector<1x16xf32> to vector<16xf32>
      %mul3A_317 = arith.mulf %get3A_312, %get3A_316 : vector<16xf32>
      %swap3A_318 = arith.index_cast %scan3A_296 : i32 to index
      %swap3A_319 = arith.constant 16 : index
      %swap3A_320 = tpu.vector_load %arg9[%swap3A_318, %swap3A_319] {strides = array<i32>} : memref<64x128xf32, #tpu.memory_space<vmem>>, vector<1x16xf32>,
      %swap3A_321 = vector.shape_cast %swap3A_320 : vector<1x16xf32> to vector<16xf32>
      %swap3A_322 = vector.shape_cast %mul3A_317 : vector<16xf32> to vector<1x16xf32>
      tpu.vector_store %arg9[%swap3A_318, %swap3A_319], %swap3A_322 {strides = array<i32>} : memref<64x128xf32, #tpu.memory_space<vmem>>, vector<1x16xf32>,
      %get3A_323 = arith.index_cast %scan3A_296 : i32 to index
      %get3A_324 = arith.constant 32 : index
      %get3A_325 = tpu.vector_load %arg9[%get3A_323, %get3A_324] {strides = array<i32>} : memref<64x128xf32, #tpu.memory_space<vmem>>, vector<1x16xf32>,
      %get3A_326 = vector.shape_cast %get3A_325 : vector<1x16xf32> to vector<16xf32>
      %get3A_327 = arith.index_cast %scan3A_296 : i32 to index
      %get3A_328 = arith.constant 32 : index
      %get3A_329 = tpu.vector_load %arg16[%get3A_327, %get3A_328] {strides = array<i32>} : memref<64x128xf32, #tpu.memory_space<vmem>>, vector<1x16xf32>,
      %get3A_330 = vector.shape_cast %get3A_329 : vector<1x16xf32> to vector<16xf32>
      %mul3A_331 = arith.mulf %get3A_326, %get3A_330 : vector<16xf32>
      %swap3A_332 = arith.index_cast %scan3A_296 : i32 to index
      %swap3A_333 = arith.constant 32 : index
      %swap3A_334 = tpu.vector_load %arg9[%swap3A_332, %swap3A_333] {strides = array<i32>} : memref<64x128xf32, #tpu.memory_space<vmem>>, vector<1x16xf32>,
      %swap3A_335 = vector.shape_cast %swap3A_334 : vector<1x16xf32> to vector<16xf32>
      %swap3A_336 = vector.shape_cast %mul3A_331 : vector<16xf32> to vector<1x16xf32>
      tpu.vector_store %arg9[%swap3A_332, %swap3A_333], %swap3A_336 {strides = array<i32>} : memref<64x128xf32, #tpu.memory_space<vmem>>, vector<1x16xf32>,
      %get3A_337 = arith.index_cast %scan3A_296 : i32 to index
      %get3A_338 = arith.constant 48 : index
      %get3A_339 = tpu.vector_load %arg9[%get3A_337, %get3A_338] {strides = array<i32>} : memref<64x128xf32, #tpu.memory_space<vmem>>, vector<1x16xf32>,
      %get3A_340 = vector.shape_cast %get3A_339 : vector<1x16xf32> to vector<16xf32>
      %get3A_341 = arith.index_cast %scan3A_296 : i32 to index
      %get3A_342 = arith.constant 48 : index
      %get3A_343 = tpu.vector_load %arg16[%get3A_341, %get3A_342] {strides = array<i32>} : memref<64x128xf32, #tpu.memory_space<vmem>>, vector<1x16xf32>,
      %get3A_344 = vector.shape_cast %get3A_343 : vector<1x16xf32> to vector<16xf32>
      %mul3A_345 = arith.mulf %get3A_340, %get3A_344 : vector<16xf32>
      %swap3A_346 = arith.index_cast %scan3A_296 : i32 to index
      %swap3A_347 = arith.constant 48 : index
      %swap3A_348 = tpu.vector_load %arg9[%swap3A_346, %swap3A_347] {strides = array<i32>} : memref<64x128xf32, #tpu.memory_space<vmem>>, vector<1x16xf32>,
      %swap3A_349 = vector.shape_cast %swap3A_348 : vector<1x16xf32> to vector<16xf32>
      %swap3A_350 = vector.shape_cast %mul3A_345 : vector<16xf32> to vector<1x16xf32>
      tpu.vector_store %arg9[%swap3A_346, %swap3A_347], %swap3A_350 {strides = array<i32>} : memref<64x128xf32, #tpu.memory_space<vmem>>, vector<1x16xf32>,
      %get3A_351 = arith.index_cast %scan3A_296 : i32 to index
      %get3A_352 = arith.constant 64 : index
      %get3A_353 = tpu.vector_load %arg9[%get3A_351, %get3A_352] {strides = array<i32>} : memref<64x128xf32, #tpu.memory_space<vmem>>, vector<1x16xf32>,
      %get3A_354 = vector.shape_cast %get3A_353 : vector<1x16xf32> to vector<16xf32>
      %get3A_355 = arith.index_cast %scan3A_296 : i32 to index
      %get3A_356 = arith.constant 64 : index
      %get3A_357 = tpu.vector_load %arg16[%get3A_355, %get3A_356] {strides = array<i32>} : memref<64x128xf32, #tpu.memory_space<vmem>>, vector<1x16xf32>,
      %get3A_358 = vector.shape_cast %get3A_357 : vector<1x16xf32> to vector<16xf32>
      %mul3A_359 = arith.mulf %get3A_354, %get3A_358 : vector<16xf32>
      %swap3A_360 = arith.index_cast %scan3A_296 : i32 to index
      %swap3A_361 = arith.constant 64 : index
      %swap3A_362 = tpu.vector_load %arg9[%swap3A_360, %swap3A_361] {strides = array<i32>} : memref<64x128xf32, #tpu.memory_space<vmem>>, vector<1x16xf32>,
      %swap3A_363 = vector.shape_cast %swap3A_362 : vector<1x16xf32> to vector<16xf32>
      %swap3A_364 = vector.shape_cast %mul3A_359 : vector<16xf32> to vector<1x16xf32>
      tpu.vector_store %arg9[%swap3A_360, %swap3A_361], %swap3A_364 {strides = array<i32>} : memref<64x128xf32, #tpu.memory_space<vmem>>, vector<1x16xf32>,
      %get3A_365 = arith.index_cast %scan3A_296 : i32 to index
      %get3A_366 = arith.constant 80 : index
      %get3A_367 = tpu.vector_load %arg9[%get3A_365, %get3A_366] {strides = array<i32>} : memref<64x128xf32, #tpu.memory_space<vmem>>, vector<1x16xf32>,
      %get3A_368 = vector.shape_cast %get3A_367 : vector<1x16xf32> to vector<16xf32>
      %get3A_369 = arith.index_cast %scan3A_296 : i32 to index
      %get3A_370 = arith.constant 80 : index
      %get3A_371 = tpu.vector_load %arg16[%get3A_369, %get3A_370] {strides = array<i32>} : memref<64x128xf32, #tpu.memory_space<vmem>>, vector<1x16xf32>,
      %get3A_372 = vector.shape_cast %get3A_371 : vector<1x16xf32> to vector<16xf32>
      %mul3A_373 = arith.mulf %get3A_368, %get3A_372 : vector<16xf32>
      %swap3A_374 = arith.index_cast %scan3A_296 : i32 to index
      %swap3A_375 = arith.constant 80 : index
      %swap3A_376 = tpu.vector_load %arg9[%swap3A_374, %swap3A_375] {strides = array<i32>} : memref<64x128xf32, #tpu.memory_space<vmem>>, vector<1x16xf32>,
      %swap3A_377 = vector.shape_cast %swap3A_376 : vector<1x16xf32> to vector<16xf32>
      %swap3A_378 = vector.shape_cast %mul3A_373 : vector<16xf32> to vector<1x16xf32>
      tpu.vector_store %arg9[%swap3A_374, %swap3A_375], %swap3A_378 {strides = array<i32>} : memref<64x128xf32, #tpu.memory_space<vmem>>, vector<1x16xf32>,
      %get3A_379 = arith.index_cast %scan3A_296 : i32 to index
      %get3A_380 = arith.constant 96 : index
      %get3A_381 = tpu.vector_load %arg9[%get3A_379, %get3A_380] {strides = array<i32>} : memref<64x128xf32, #tpu.memory_space<vmem>>, vector<1x16xf32>,
      %get3A_382 = vector.shape_cast %get3A_381 : vector<1x16xf32> to vector<16xf32>
      %get3A_383 = arith.index_cast %scan3A_296 : i32 to index
      %get3A_384 = arith.constant 96 : index
      %get3A_385 = tpu.vector_load %arg16[%get3A_383, %get3A_384] {strides = array<i32>} : memref<64x128xf32, #tpu.memory_space<vmem>>, vector<1x16xf32>,
      %get3A_386 = vector.shape_cast %get3A_385 : vector<1x16xf32> to vector<16xf32>
      %mul3A_387 = arith.mulf %get3A_382, %get3A_386 : vector<16xf32>
      %swap3A_388 = arith.index_cast %scan3A_296 : i32 to index
      %swap3A_389 = arith.constant 96 : index
      %swap3A_390 = tpu.vector_load %arg9[%swap3A_388, %swap3A_389] {strides = array<i32>} : memref<64x128xf32, #tpu.memory_space<vmem>>, vector<1x16xf32>,
      %swap3A_391 = vector.shape_cast %swap3A_390 : vector<1x16xf32> to vector<16xf32>
      %swap3A_392 = vector.shape_cast %mul3A_387 : vector<16xf32> to vector<1x16xf32>
      tpu.vector_store %arg9[%swap3A_388, %swap3A_389], %swap3A_392 {strides = array<i32>} : memref<64x128xf32, #tpu.memory_space<vmem>>, vector<1x16xf32>,
      %get3A_393 = arith.index_cast %scan3A_296 : i32 to index
      %get3A_394 = arith.constant 112 : index
      %get3A_395 = tpu.vector_load %arg9[%get3A_393, %get3A_394] {strides = array<i32>} : memref<64x128xf32, #tpu.memory_space<vmem>>, vector<1x16xf32>,
      %get3A_396 = vector.shape_cast %get3A_395 : vector<1x16xf32> to vector<16xf32>
      %get3A_397 = arith.index_cast %scan3A_296 : i32 to index
      %get3A_398 = arith.constant 112 : index
      %get3A_399 = tpu.vector_load %arg16[%get3A_397, %get3A_398] {strides = array<i32>} : memref<64x128xf32, #tpu.memory_space<vmem>>, vector<1x16xf32>,
      %get3A_400 = vector.shape_cast %get3A_399 : vector<1x16xf32> to vector<16xf32>
      %mul3A_401 = arith.mulf %get3A_396, %get3A_400 : vector<16xf32>
      %swap3A_402 = arith.index_cast %scan3A_296 : i32 to index
      %swap3A_403 = arith.constant 112 : index
      %swap3A_404 = tpu.vector_load %arg9[%swap3A_402, %swap3A_403] {strides = array<i32>} : memref<64x128xf32, #tpu.memory_space<vmem>>, vector<1x16xf32>,
      %swap3A_405 = vector.shape_cast %swap3A_404 : vector<1x16xf32> to vector<16xf32>
      %swap3A_406 = vector.shape_cast %mul3A_401 : vector<16xf32> to vector<1x16xf32>
      tpu.vector_store %arg9[%swap3A_402, %swap3A_403], %swap3A_406 {strides = array<i32>} : memref<64x128xf32, #tpu.memory_space<vmem>>, vector<1x16xf32>,
    }
    %scan3A_93 = arith.constant 64 : i32
    %add3A_94 = arith.constant 0 : i32
    %add3A_95 = arith.addi %mul3A_2, %add3A_94 : i32
    %dma_start3A_96 = arith.constant 0 : i32
    %dma_start3A_97 = tpu.memref_slice %arg6[%add3A_95, %dma_start3A_96] : memref<16384x128xf32, #tpu.memory_space<hbm>> -> memref<64x128xf32, #tpu.memory_space<hbm>>
    %dma_start3A_98 = arith.constant 0 : i32
    %dma_start3A_99 = tpu.memref_slice %arg6[%add3A_95, %dma_start3A_98] : memref<16384x128xf32, #tpu.memory_space<hbm>> -> memref<64x128xf32, #tpu.memory_space<hbm>>
    tpu.enqueue_dma source(%arg9 : memref<64x128xf32, #tpu.memory_space<vmem>>) target(%dma_start3A_99 : memref<64x128xf32, #tpu.memory_space<hbm>>) target_semaphore(%arg31 : memref<!tpu.dma_semaphore, #tpu.memory_space<semaphore_mem>>)
    %dma_wait3A_100 = arith.constant 0 : i32
    %dma_wait3A_101 = tpu.memref_slice %arg6[%add3A_95, %dma_wait3A_100] : memref<16384x128xf32, #tpu.memory_space<hbm>> -> memref<64x128xf32, #tpu.memory_space<hbm>>
    %dma_wait3A_102 = arith.constant 0 : i32
    %dma_wait3A_103 = tpu.memref_slice %arg6[%add3A_95, %dma_wait3A_102] : memref<16384x128xf32, #tpu.memory_space<hbm>> -> memref<64x128xf32, #tpu.memory_space<hbm>>
    tpu.wait_dma2 semaphore(%arg31 : memref<!tpu.dma_semaphore, #tpu.memory_space<semaphore_mem>>) src(%arg9 : memref<64x128xf32, #tpu.memory_space<vmem>>) dst(%dma_wait3A_103 : memref<64x128xf32, #tpu.memory_space<hbm>>)
    %dma_start3A_104 = arith.constant 448 : i32
    %dma_start3A_105 = tpu.memref_slice %arg7[%dma_start3A_104] : memref<512xi32, #tpu.memory_space<vmem>> -> memref<64xi32, #tpu.memory_space<vmem>>
    %dma_start3A_106 = arith.constant 0 : i32
    %dma_start3A_107 = arith.constant 0 : i32
    %dma_start3A_108 = tpu.memref_slice %arg4[%dma_start3A_106, %dma_start3A_107] : memref<100000x128xf32, #tpu.memory_space<hbm>> -> memref<100000x128xf32, #tpu.memory_space<hbm>>
    tpu.enqueue_indirect_dma source(%dma_start3A_108 : memref<100000x128xf32, #tpu.memory_space<hbm>>) target(%arg9 : memref<64x128xf32, #tpu.memory_space<vmem>>) offsets(%dma_start3A_105 : memref<64xi32, #tpu.memory_space<vmem>>) semaphore(%arg24 : memref<!tpu.dma_semaphore, #tpu.memory_space<semaphore_mem>>)
    %dma_start3A_109 = arith.constant 448 : i32
    %dma_start3A_110 = tpu.memref_slice %arg8[%dma_start3A_109] : memref<512xi32, #tpu.memory_space<vmem>> -> memref<64xi32, #tpu.memory_space<vmem>>
    %dma_start3A_111 = arith.constant 0 : i32
    %dma_start3A_112 = arith.constant 0 : i32
    %dma_start3A_113 = tpu.memref_slice %arg5[%dma_start3A_111, %dma_start3A_112] : memref<100000x128xf32, #tpu.memory_space<hbm>> -> memref<100000x128xf32, #tpu.memory_space<hbm>>
    tpu.enqueue_indirect_dma source(%dma_start3A_113 : memref<100000x128xf32, #tpu.memory_space<hbm>>) target(%arg16 : memref<64x128xf32, #tpu.memory_space<vmem>>) offsets(%dma_start3A_110 : memref<64xi32, #tpu.memory_space<vmem>>) semaphore(%arg24 : memref<!tpu.dma_semaphore, #tpu.memory_space<semaphore_mem>>)
    %dma_wait3A_114 = arith.constant 64 : i32
    %dma_wait3A_115 = tpu.memref_slice %arg7[%dma_wait3A_114] : memref<512xi32, #tpu.memory_space<vmem>> -> memref<64xi32, #tpu.memory_space<vmem>>
    %dma_wait3A_116 = arith.constant 0 : i32
    %dma_wait3A_117 = arith.constant 0 : i32
    %dma_wait3A_118 = tpu.memref_slice %arg4[%dma_wait3A_116, %dma_wait3A_117] : memref<100000x128xf32, #tpu.memory_space<hbm>> -> memref<100000x128xf32, #tpu.memory_space<hbm>>
    tpu.wait_indirect_dma semaphore(%arg25 : memref<!tpu.dma_semaphore, #tpu.memory_space<semaphore_mem>>) src(%dma_wait3A_118 : memref<100000x128xf32, #tpu.memory_space<hbm>>) dst(%arg10 : memref<64x128xf32, #tpu.memory_space<vmem>>)
    %dma_wait3A_119 = arith.constant 64 : i32
    %dma_wait3A_120 = tpu.memref_slice %arg8[%dma_wait3A_119] : memref<512xi32, #tpu.memory_space<vmem>> -> memref<64xi32, #tpu.memory_space<vmem>>
    %dma_wait3A_121 = arith.constant 0 : i32
    %dma_wait3A_122 = arith.constant 0 : i32
    %dma_wait3A_123 = tpu.memref_slice %arg5[%dma_wait3A_121, %dma_wait3A_122] : memref<100000x128xf32, #tpu.memory_space<hbm>> -> memref<100000x128xf32, #tpu.memory_space<hbm>>
    tpu.wait_indirect_dma semaphore(%arg25 : memref<!tpu.dma_semaphore, #tpu.memory_space<semaphore_mem>>) src(%dma_wait3A_123 : memref<100000x128xf32, #tpu.memory_space<hbm>>) dst(%arg17 : memref<64x128xf32, #tpu.memory_space<vmem>>)
    %scan3A_124 = arith.constant 0 : i32
    %scan3A_125 = arith.constant 0 : i32
    %scan3A_126 = arith.constant 64 : i32
    %scan3A_127 = arith.addi %scan3A_125, %scan3A_126 : i32
    %scan3A_128 = arith.constant 1 : i32
    scf.for %scan3A_296 = %scan3A_125 to %scan3A_127 step %scan3A_128  : i32 {
      %get3A = arith.index_cast %scan3A_296 : i32 to index
      %get3A_297 = arith.constant 0 : index
      %get3A_298 = tpu.vector_load %arg10[%get3A, %get3A_297] {strides = array<i32>} : memref<64x128xf32, #tpu.memory_space<vmem>>, vector<1x16xf32>,
      %get3A_299 = vector.shape_cast %get3A_298 : vector<1x16xf32> to vector<16xf32>
      %get3A_300 = arith.index_cast %scan3A_296 : i32 to index
      %get3A_301 = arith.constant 0 : index
      %get3A_302 = tpu.vector_load %arg17[%get3A_300, %get3A_301] {strides = array<i32>} : memref<64x128xf32, #tpu.memory_space<vmem>>, vector<1x16xf32>,
      %get3A_303 = vector.shape_cast %get3A_302 : vector<1x16xf32> to vector<16xf32>
      %mul3A_304 = arith.mulf %get3A_299, %get3A_303 : vector<16xf32>
      %swap3A = arith.index_cast %scan3A_296 : i32 to index
      %swap3A_305 = arith.constant 0 : index
      %swap3A_306 = tpu.vector_load %arg10[%swap3A, %swap3A_305] {strides = array<i32>} : memref<64x128xf32, #tpu.memory_space<vmem>>, vector<1x16xf32>,
      %swap3A_307 = vector.shape_cast %swap3A_306 : vector<1x16xf32> to vector<16xf32>
      %swap3A_308 = vector.shape_cast %mul3A_304 : vector<16xf32> to vector<1x16xf32>
      tpu.vector_store %arg10[%swap3A, %swap3A_305], %swap3A_308 {strides = array<i32>} : memref<64x128xf32, #tpu.memory_space<vmem>>, vector<1x16xf32>,
      %get3A_309 = arith.index_cast %scan3A_296 : i32 to index
      %get3A_310 = arith.constant 16 : index
      %get3A_311 = tpu.vector_load %arg10[%get3A_309, %get3A_310] {strides = array<i32>} : memref<64x128xf32, #tpu.memory_space<vmem>>, vector<1x16xf32>,
      %get3A_312 = vector.shape_cast %get3A_311 : vector<1x16xf32> to vector<16xf32>
      %get3A_313 = arith.index_cast %scan3A_296 : i32 to index
      %get3A_314 = arith.constant 16 : index
      %get3A_315 = tpu.vector_load %arg17[%get3A_313, %get3A_314] {strides = array<i32>} : memref<64x128xf32, #tpu.memory_space<vmem>>, vector<1x16xf32>,
      %get3A_316 = vector.shape_cast %get3A_315 : vector<1x16xf32> to vector<16xf32>
      %mul3A_317 = arith.mulf %get3A_312, %get3A_316 : vector<16xf32>
      %swap3A_318 = arith.index_cast %scan3A_296 : i32 to index
      %swap3A_319 = arith.constant 16 : index
      %swap3A_320 = tpu.vector_load %arg10[%swap3A_318, %swap3A_319] {strides = array<i32>} : memref<64x128xf32, #tpu.memory_space<vmem>>, vector<1x16xf32>,
      %swap3A_321 = vector.shape_cast %swap3A_320 : vector<1x16xf32> to vector<16xf32>
      %swap3A_322 = vector.shape_cast %mul3A_317 : vector<16xf32> to vector<1x16xf32>
      tpu.vector_store %arg10[%swap3A_318, %swap3A_319], %swap3A_322 {strides = array<i32>} : memref<64x128xf32, #tpu.memory_space<vmem>>, vector<1x16xf32>,
      %get3A_323 = arith.index_cast %scan3A_296 : i32 to index
      %get3A_324 = arith.constant 32 : index
      %get3A_325 = tpu.vector_load %arg10[%get3A_323, %get3A_324] {strides = array<i32>} : memref<64x128xf32, #tpu.memory_space<vmem>>, vector<1x16xf32>,
      %get3A_326 = vector.shape_cast %get3A_325 : vector<1x16xf32> to vector<16xf32>
      %get3A_327 = arith.index_cast %scan3A_296 : i32 to index
      %get3A_328 = arith.constant 32 : index
      %get3A_329 = tpu.vector_load %arg17[%get3A_327, %get3A_328] {strides = array<i32>} : memref<64x128xf32, #tpu.memory_space<vmem>>, vector<1x16xf32>,
      %get3A_330 = vector.shape_cast %get3A_329 : vector<1x16xf32> to vector<16xf32>
      %mul3A_331 = arith.mulf %get3A_326, %get3A_330 : vector<16xf32>
      %swap3A_332 = arith.index_cast %scan3A_296 : i32 to index
      %swap3A_333 = arith.constant 32 : index
      %swap3A_334 = tpu.vector_load %arg10[%swap3A_332, %swap3A_333] {strides = array<i32>} : memref<64x128xf32, #tpu.memory_space<vmem>>, vector<1x16xf32>,
      %swap3A_335 = vector.shape_cast %swap3A_334 : vector<1x16xf32> to vector<16xf32>
      %swap3A_336 = vector.shape_cast %mul3A_331 : vector<16xf32> to vector<1x16xf32>
      tpu.vector_store %arg10[%swap3A_332, %swap3A_333], %swap3A_336 {strides = array<i32>} : memref<64x128xf32, #tpu.memory_space<vmem>>, vector<1x16xf32>,
      %get3A_337 = arith.index_cast %scan3A_296 : i32 to index
      %get3A_338 = arith.constant 48 : index
      %get3A_339 = tpu.vector_load %arg10[%get3A_337, %get3A_338] {strides = array<i32>} : memref<64x128xf32, #tpu.memory_space<vmem>>, vector<1x16xf32>,
      %get3A_340 = vector.shape_cast %get3A_339 : vector<1x16xf32> to vector<16xf32>
      %get3A_341 = arith.index_cast %scan3A_296 : i32 to index
      %get3A_342 = arith.constant 48 : index
      %get3A_343 = tpu.vector_load %arg17[%get3A_341, %get3A_342] {strides = array<i32>} : memref<64x128xf32, #tpu.memory_space<vmem>>, vector<1x16xf32>,
      %get3A_344 = vector.shape_cast %get3A_343 : vector<1x16xf32> to vector<16xf32>
      %mul3A_345 = arith.mulf %get3A_340, %get3A_344 : vector<16xf32>
      %swap3A_346 = arith.index_cast %scan3A_296 : i32 to index
      %swap3A_347 = arith.constant 48 : index
      %swap3A_348 = tpu.vector_load %arg10[%swap3A_346, %swap3A_347] {strides = array<i32>} : memref<64x128xf32, #tpu.memory_space<vmem>>, vector<1x16xf32>,
      %swap3A_349 = vector.shape_cast %swap3A_348 : vector<1x16xf32> to vector<16xf32>
      %swap3A_350 = vector.shape_cast %mul3A_345 : vector<16xf32> to vector<1x16xf32>
      tpu.vector_store %arg10[%swap3A_346, %swap3A_347], %swap3A_350 {strides = array<i32>} : memref<64x128xf32, #tpu.memory_space<vmem>>, vector<1x16xf32>,
      %get3A_351 = arith.index_cast %scan3A_296 : i32 to index
      %get3A_352 = arith.constant 64 : index
      %get3A_353 = tpu.vector_load %arg10[%get3A_351, %get3A_352] {strides = array<i32>} : memref<64x128xf32, #tpu.memory_space<vmem>>, vector<1x16xf32>,
      %get3A_354 = vector.shape_cast %get3A_353 : vector<1x16xf32> to vector<16xf32>
      %get3A_355 = arith.index_cast %scan3A_296 : i32 to index
      %get3A_356 = arith.constant 64 : index
      %get3A_357 = tpu.vector_load %arg17[%get3A_355, %get3A_356] {strides = array<i32>} : memref<64x128xf32, #tpu.memory_space<vmem>>, vector<1x16xf32>,
      %get3A_358 = vector.shape_cast %get3A_357 : vector<1x16xf32> to vector<16xf32>
      %mul3A_359 = arith.mulf %get3A_354, %get3A_358 : vector<16xf32>
      %swap3A_360 = arith.index_cast %scan3A_296 : i32 to index
      %swap3A_361 = arith.constant 64 : index
      %swap3A_362 = tpu.vector_load %arg10[%swap3A_360, %swap3A_361] {strides = array<i32>} : memref<64x128xf32, #tpu.memory_space<vmem>>, vector<1x16xf32>,
      %swap3A_363 = vector.shape_cast %swap3A_362 : vector<1x16xf32> to vector<16xf32>
      %swap3A_364 = vector.shape_cast %mul3A_359 : vector<16xf32> to vector<1x16xf32>
      tpu.vector_store %arg10[%swap3A_360, %swap3A_361], %swap3A_364 {strides = array<i32>} : memref<64x128xf32, #tpu.memory_space<vmem>>, vector<1x16xf32>,
      %get3A_365 = arith.index_cast %scan3A_296 : i32 to index
      %get3A_366 = arith.constant 80 : index
      %get3A_367 = tpu.vector_load %arg10[%get3A_365, %get3A_366] {strides = array<i32>} : memref<64x128xf32, #tpu.memory_space<vmem>>, vector<1x16xf32>,
      %get3A_368 = vector.shape_cast %get3A_367 : vector<1x16xf32> to vector<16xf32>
      %get3A_369 = arith.index_cast %scan3A_296 : i32 to index
      %get3A_370 = arith.constant 80 : index
      %get3A_371 = tpu.vector_load %arg17[%get3A_369, %get3A_370] {strides = array<i32>} : memref<64x128xf32, #tpu.memory_space<vmem>>, vector<1x16xf32>,
      %get3A_372 = vector.shape_cast %get3A_371 : vector<1x16xf32> to vector<16xf32>
      %mul3A_373 = arith.mulf %get3A_368, %get3A_372 : vector<16xf32>
      %swap3A_374 = arith.index_cast %scan3A_296 : i32 to index
      %swap3A_375 = arith.constant 80 : index
      %swap3A_376 = tpu.vector_load %arg10[%swap3A_374, %swap3A_375] {strides = array<i32>} : memref<64x128xf32, #tpu.memory_space<vmem>>, vector<1x16xf32>,
      %swap3A_377 = vector.shape_cast %swap3A_376 : vector<1x16xf32> to vector<16xf32>
      %swap3A_378 = vector.shape_cast %mul3A_373 : vector<16xf32> to vector<1x16xf32>
      tpu.vector_store %arg10[%swap3A_374, %swap3A_375], %swap3A_378 {strides = array<i32>} : memref<64x128xf32, #tpu.memory_space<vmem>>, vector<1x16xf32>,
      %get3A_379 = arith.index_cast %scan3A_296 : i32 to index
      %get3A_380 = arith.constant 96 : index
      %get3A_381 = tpu.vector_load %arg10[%get3A_379, %get3A_380] {strides = array<i32>} : memref<64x128xf32, #tpu.memory_space<vmem>>, vector<1x16xf32>,
      %get3A_382 = vector.shape_cast %get3A_381 : vector<1x16xf32> to vector<16xf32>
      %get3A_383 = arith.index_cast %scan3A_296 : i32 to index
      %get3A_384 = arith.constant 96 : index
      %get3A_385 = tpu.vector_load %arg17[%get3A_383, %get3A_384] {strides = array<i32>} : memref<64x128xf32, #tpu.memory_space<vmem>>, vector<1x16xf32>,
      %get3A_386 = vector.shape_cast %get3A_385 : vector<1x16xf32> to vector<16xf32>
      %mul3A_387 = arith.mulf %get3A_382, %get3A_386 : vector<16xf32>
      %swap3A_388 = arith.index_cast %scan3A_296 : i32 to index
      %swap3A_389 = arith.constant 96 : index
      %swap3A_390 = tpu.vector_load %arg10[%swap3A_388, %swap3A_389] {strides = array<i32>} : memref<64x128xf32, #tpu.memory_space<vmem>>, vector<1x16xf32>,
      %swap3A_391 = vector.shape_cast %swap3A_390 : vector<1x16xf32> to vector<16xf32>
      %swap3A_392 = vector.shape_cast %mul3A_387 : vector<16xf32> to vector<1x16xf32>
      tpu.vector_store %arg10[%swap3A_388, %swap3A_389], %swap3A_392 {strides = array<i32>} : memref<64x128xf32, #tpu.memory_space<vmem>>, vector<1x16xf32>,
      %get3A_393 = arith.index_cast %scan3A_296 : i32 to index
      %get3A_394 = arith.constant 112 : index
      %get3A_395 = tpu.vector_load %arg10[%get3A_393, %get3A_394] {strides = array<i32>} : memref<64x128xf32, #tpu.memory_space<vmem>>, vector<1x16xf32>,
      %get3A_396 = vector.shape_cast %get3A_395 : vector<1x16xf32> to vector<16xf32>
      %get3A_397 = arith.index_cast %scan3A_296 : i32 to index
      %get3A_398 = arith.constant 112 : index
      %get3A_399 = tpu.vector_load %arg17[%get3A_397, %get3A_398] {strides = array<i32>} : memref<64x128xf32, #tpu.memory_space<vmem>>, vector<1x16xf32>,
      %get3A_400 = vector.shape_cast %get3A_399 : vector<1x16xf32> to vector<16xf32>
      %mul3A_401 = arith.mulf %get3A_396, %get3A_400 : vector<16xf32>
      %swap3A_402 = arith.index_cast %scan3A_296 : i32 to index
      %swap3A_403 = arith.constant 112 : index
      %swap3A_404 = tpu.vector_load %arg10[%swap3A_402, %swap3A_403] {strides = array<i32>} : memref<64x128xf32, #tpu.memory_space<vmem>>, vector<1x16xf32>,
      %swap3A_405 = vector.shape_cast %swap3A_404 : vector<1x16xf32> to vector<16xf32>
      %swap3A_406 = vector.shape_cast %mul3A_401 : vector<16xf32> to vector<1x16xf32>
      tpu.vector_store %arg10[%swap3A_402, %swap3A_403], %swap3A_406 {strides = array<i32>} : memref<64x128xf32, #tpu.memory_space<vmem>>, vector<1x16xf32>,
    }
    %scan3A_129 = arith.constant 64 : i32
    %add3A_130 = arith.constant 64 : i32
    %add3A_131 = arith.addi %mul3A_2, %add3A_130 : i32
    %dma_start3A_132 = arith.constant 0 : i32
    %dma_start3A_133 = tpu.memref_slice %arg6[%add3A_131, %dma_start3A_132] : memref<16384x128xf32, #tpu.memory_space<hbm>> -> memref<64x128xf32, #tpu.memory_space<hbm>>
    %dma_start3A_134 = arith.constant 0 : i32
    %dma_start3A_135 = tpu.memref_slice %arg6[%add3A_131, %dma_start3A_134] : memref<16384x128xf32, #tpu.memory_space<hbm>> -> memref<64x128xf32, #tpu.memory_space<hbm>>
    tpu.enqueue_dma source(%arg10 : memref<64x128xf32, #tpu.memory_space<vmem>>) target(%dma_start3A_135 : memref<64x128xf32, #tpu.memory_space<hbm>>) target_semaphore(%arg32 : memref<!tpu.dma_semaphore, #tpu.memory_space<semaphore_mem>>)
    %dma_wait3A_136 = arith.constant 128 : i32
    %dma_wait3A_137 = tpu.memref_slice %arg7[%dma_wait3A_136] : memref<512xi32, #tpu.memory_space<vmem>> -> memref<64xi32, #tpu.memory_space<vmem>>
    %dma_wait3A_138 = arith.constant 0 : i32
    %dma_wait3A_139 = arith.constant 0 : i32
    %dma_wait3A_140 = tpu.memref_slice %arg4[%dma_wait3A_138, %dma_wait3A_139] : memref<100000x128xf32, #tpu.memory_space<hbm>> -> memref<100000x128xf32, #tpu.memory_space<hbm>>
    tpu.wait_indirect_dma semaphore(%arg26 : memref<!tpu.dma_semaphore, #tpu.memory_space<semaphore_mem>>) src(%dma_wait3A_140 : memref<100000x128xf32, #tpu.memory_space<hbm>>) dst(%arg11 : memref<64x128xf32, #tpu.memory_space<vmem>>)
    %dma_wait3A_141 = arith.constant 128 : i32
    %dma_wait3A_142 = tpu.memref_slice %arg8[%dma_wait3A_141] : memref<512xi32, #tpu.memory_space<vmem>> -> memref<64xi32, #tpu.memory_space<vmem>>
    %dma_wait3A_143 = arith.constant 0 : i32
    %dma_wait3A_144 = arith.constant 0 : i32
    %dma_wait3A_145 = tpu.memref_slice %arg5[%dma_wait3A_143, %dma_wait3A_144] : memref<100000x128xf32, #tpu.memory_space<hbm>> -> memref<100000x128xf32, #tpu.memory_space<hbm>>
    tpu.wait_indirect_dma semaphore(%arg26 : memref<!tpu.dma_semaphore, #tpu.memory_space<semaphore_mem>>) src(%dma_wait3A_145 : memref<100000x128xf32, #tpu.memory_space<hbm>>) dst(%arg18 : memref<64x128xf32, #tpu.memory_space<vmem>>)
    %scan3A_146 = arith.constant 0 : i32
    %scan3A_147 = arith.constant 0 : i32
    %scan3A_148 = arith.constant 64 : i32
    %scan3A_149 = arith.addi %scan3A_147, %scan3A_148 : i32
    %scan3A_150 = arith.constant 1 : i32
    scf.for %scan3A_296 = %scan3A_147 to %scan3A_149 step %scan3A_150  : i32 {
      %get3A = arith.index_cast %scan3A_296 : i32 to index
      %get3A_297 = arith.constant 0 : index
      %get3A_298 = tpu.vector_load %arg11[%get3A, %get3A_297] {strides = array<i32>} : memref<64x128xf32, #tpu.memory_space<vmem>>, vector<1x16xf32>,
      %get3A_299 = vector.shape_cast %get3A_298 : vector<1x16xf32> to vector<16xf32>
      %get3A_300 = arith.index_cast %scan3A_296 : i32 to index
      %get3A_301 = arith.constant 0 : index
      %get3A_302 = tpu.vector_load %arg18[%get3A_300, %get3A_301] {strides = array<i32>} : memref<64x128xf32, #tpu.memory_space<vmem>>, vector<1x16xf32>,
      %get3A_303 = vector.shape_cast %get3A_302 : vector<1x16xf32> to vector<16xf32>
      %mul3A_304 = arith.mulf %get3A_299, %get3A_303 : vector<16xf32>
      %swap3A = arith.index_cast %scan3A_296 : i32 to index
      %swap3A_305 = arith.constant 0 : index
      %swap3A_306 = tpu.vector_load %arg11[%swap3A, %swap3A_305] {strides = array<i32>} : memref<64x128xf32, #tpu.memory_space<vmem>>, vector<1x16xf32>,
      %swap3A_307 = vector.shape_cast %swap3A_306 : vector<1x16xf32> to vector<16xf32>
      %swap3A_308 = vector.shape_cast %mul3A_304 : vector<16xf32> to vector<1x16xf32>
      tpu.vector_store %arg11[%swap3A, %swap3A_305], %swap3A_308 {strides = array<i32>} : memref<64x128xf32, #tpu.memory_space<vmem>>, vector<1x16xf32>,
      %get3A_309 = arith.index_cast %scan3A_296 : i32 to index
      %get3A_310 = arith.constant 16 : index
      %get3A_311 = tpu.vector_load %arg11[%get3A_309, %get3A_310] {strides = array<i32>} : memref<64x128xf32, #tpu.memory_space<vmem>>, vector<1x16xf32>,
      %get3A_312 = vector.shape_cast %get3A_311 : vector<1x16xf32> to vector<16xf32>
      %get3A_313 = arith.index_cast %scan3A_296 : i32 to index
      %get3A_314 = arith.constant 16 : index
      %get3A_315 = tpu.vector_load %arg18[%get3A_313, %get3A_314] {strides = array<i32>} : memref<64x128xf32, #tpu.memory_space<vmem>>, vector<1x16xf32>,
      %get3A_316 = vector.shape_cast %get3A_315 : vector<1x16xf32> to vector<16xf32>
      %mul3A_317 = arith.mulf %get3A_312, %get3A_316 : vector<16xf32>
      %swap3A_318 = arith.index_cast %scan3A_296 : i32 to index
      %swap3A_319 = arith.constant 16 : index
      %swap3A_320 = tpu.vector_load %arg11[%swap3A_318, %swap3A_319] {strides = array<i32>} : memref<64x128xf32, #tpu.memory_space<vmem>>, vector<1x16xf32>,
      %swap3A_321 = vector.shape_cast %swap3A_320 : vector<1x16xf32> to vector<16xf32>
      %swap3A_322 = vector.shape_cast %mul3A_317 : vector<16xf32> to vector<1x16xf32>
      tpu.vector_store %arg11[%swap3A_318, %swap3A_319], %swap3A_322 {strides = array<i32>} : memref<64x128xf32, #tpu.memory_space<vmem>>, vector<1x16xf32>,
      %get3A_323 = arith.index_cast %scan3A_296 : i32 to index
      %get3A_324 = arith.constant 32 : index
      %get3A_325 = tpu.vector_load %arg11[%get3A_323, %get3A_324] {strides = array<i32>} : memref<64x128xf32, #tpu.memory_space<vmem>>, vector<1x16xf32>,
      %get3A_326 = vector.shape_cast %get3A_325 : vector<1x16xf32> to vector<16xf32>
      %get3A_327 = arith.index_cast %scan3A_296 : i32 to index
      %get3A_328 = arith.constant 32 : index
      %get3A_329 = tpu.vector_load %arg18[%get3A_327, %get3A_328] {strides = array<i32>} : memref<64x128xf32, #tpu.memory_space<vmem>>, vector<1x16xf32>,
      %get3A_330 = vector.shape_cast %get3A_329 : vector<1x16xf32> to vector<16xf32>
      %mul3A_331 = arith.mulf %get3A_326, %get3A_330 : vector<16xf32>
      %swap3A_332 = arith.index_cast %scan3A_296 : i32 to index
      %swap3A_333 = arith.constant 32 : index
      %swap3A_334 = tpu.vector_load %arg11[%swap3A_332, %swap3A_333] {strides = array<i32>} : memref<64x128xf32, #tpu.memory_space<vmem>>, vector<1x16xf32>,
      %swap3A_335 = vector.shape_cast %swap3A_334 : vector<1x16xf32> to vector<16xf32>
      %swap3A_336 = vector.shape_cast %mul3A_331 : vector<16xf32> to vector<1x16xf32>
      tpu.vector_store %arg11[%swap3A_332, %swap3A_333], %swap3A_336 {strides = array<i32>} : memref<64x128xf32, #tpu.memory_space<vmem>>, vector<1x16xf32>,
      %get3A_337 = arith.index_cast %scan3A_296 : i32 to index
      %get3A_338 = arith.constant 48 : index
      %get3A_339 = tpu.vector_load %arg11[%get3A_337, %get3A_338] {strides = array<i32>} : memref<64x128xf32, #tpu.memory_space<vmem>>, vector<1x16xf32>,
      %get3A_340 = vector.shape_cast %get3A_339 : vector<1x16xf32> to vector<16xf32>
      %get3A_341 = arith.index_cast %scan3A_296 : i32 to index
      %get3A_342 = arith.constant 48 : index
      %get3A_343 = tpu.vector_load %arg18[%get3A_341, %get3A_342] {strides = array<i32>} : memref<64x128xf32, #tpu.memory_space<vmem>>, vector<1x16xf32>,
      %get3A_344 = vector.shape_cast %get3A_343 : vector<1x16xf32> to vector<16xf32>
      %mul3A_345 = arith.mulf %get3A_340, %get3A_344 : vector<16xf32>
      %swap3A_346 = arith.index_cast %scan3A_296 : i32 to index
      %swap3A_347 = arith.constant 48 : index
      %swap3A_348 = tpu.vector_load %arg11[%swap3A_346, %swap3A_347] {strides = array<i32>} : memref<64x128xf32, #tpu.memory_space<vmem>>, vector<1x16xf32>,
      %swap3A_349 = vector.shape_cast %swap3A_348 : vector<1x16xf32> to vector<16xf32>
      %swap3A_350 = vector.shape_cast %mul3A_345 : vector<16xf32> to vector<1x16xf32>
      tpu.vector_store %arg11[%swap3A_346, %swap3A_347], %swap3A_350 {strides = array<i32>} : memref<64x128xf32, #tpu.memory_space<vmem>>, vector<1x16xf32>,
      %get3A_351 = arith.index_cast %scan3A_296 : i32 to index
      %get3A_352 = arith.constant 64 : index
      %get3A_353 = tpu.vector_load %arg11[%get3A_351, %get3A_352] {strides = array<i32>} : memref<64x128xf32, #tpu.memory_space<vmem>>, vector<1x16xf32>,
      %get3A_354 = vector.shape_cast %get3A_353 : vector<1x16xf32> to vector<16xf32>
      %get3A_355 = arith.index_cast %scan3A_296 : i32 to index
      %get3A_356 = arith.constant 64 : index
      %get3A_357 = tpu.vector_load %arg18[%get3A_355, %get3A_356] {strides = array<i32>} : memref<64x128xf32, #tpu.memory_space<vmem>>, vector<1x16xf32>,
      %get3A_358 = vector.shape_cast %get3A_357 : vector<1x16xf32> to vector<16xf32>
      %mul3A_359 = arith.mulf %get3A_354, %get3A_358 : vector<16xf32>
      %swap3A_360 = arith.index_cast %scan3A_296 : i32 to index
      %swap3A_361 = arith.constant 64 : index
      %swap3A_362 = tpu.vector_load %arg11[%swap3A_360, %swap3A_361] {strides = array<i32>} : memref<64x128xf32, #tpu.memory_space<vmem>>, vector<1x16xf32>,
      %swap3A_363 = vector.shape_cast %swap3A_362 : vector<1x16xf32> to vector<16xf32>
      %swap3A_364 = vector.shape_cast %mul3A_359 : vector<16xf32> to vector<1x16xf32>
      tpu.vector_store %arg11[%swap3A_360, %swap3A_361], %swap3A_364 {strides = array<i32>} : memref<64x128xf32, #tpu.memory_space<vmem>>, vector<1x16xf32>,
      %get3A_365 = arith.index_cast %scan3A_296 : i32 to index
      %get3A_366 = arith.constant 80 : index
      %get3A_367 = tpu.vector_load %arg11[%get3A_365, %get3A_366] {strides = array<i32>} : memref<64x128xf32, #tpu.memory_space<vmem>>, vector<1x16xf32>,
      %get3A_368 = vector.shape_cast %get3A_367 : vector<1x16xf32> to vector<16xf32>
      %get3A_369 = arith.index_cast %scan3A_296 : i32 to index
      %get3A_370 = arith.constant 80 : index
      %get3A_371 = tpu.vector_load %arg18[%get3A_369, %get3A_370] {strides = array<i32>} : memref<64x128xf32, #tpu.memory_space<vmem>>, vector<1x16xf32>,
      %get3A_372 = vector.shape_cast %get3A_371 : vector<1x16xf32> to vector<16xf32>
      %mul3A_373 = arith.mulf %get3A_368, %get3A_372 : vector<16xf32>
      %swap3A_374 = arith.index_cast %scan3A_296 : i32 to index
      %swap3A_375 = arith.constant 80 : index
      %swap3A_376 = tpu.vector_load %arg11[%swap3A_374, %swap3A_375] {strides = array<i32>} : memref<64x128xf32, #tpu.memory_space<vmem>>, vector<1x16xf32>,
      %swap3A_377 = vector.shape_cast %swap3A_376 : vector<1x16xf32> to vector<16xf32>
      %swap3A_378 = vector.shape_cast %mul3A_373 : vector<16xf32> to vector<1x16xf32>
      tpu.vector_store %arg11[%swap3A_374, %swap3A_375], %swap3A_378 {strides = array<i32>} : memref<64x128xf32, #tpu.memory_space<vmem>>, vector<1x16xf32>,
      %get3A_379 = arith.index_cast %scan3A_296 : i32 to index
      %get3A_380 = arith.constant 96 : index
      %get3A_381 = tpu.vector_load %arg11[%get3A_379, %get3A_380] {strides = array<i32>} : memref<64x128xf32, #tpu.memory_space<vmem>>, vector<1x16xf32>,
      %get3A_382 = vector.shape_cast %get3A_381 : vector<1x16xf32> to vector<16xf32>
      %get3A_383 = arith.index_cast %scan3A_296 : i32 to index
      %get3A_384 = arith.constant 96 : index
      %get3A_385 = tpu.vector_load %arg18[%get3A_383, %get3A_384] {strides = array<i32>} : memref<64x128xf32, #tpu.memory_space<vmem>>, vector<1x16xf32>,
      %get3A_386 = vector.shape_cast %get3A_385 : vector<1x16xf32> to vector<16xf32>
      %mul3A_387 = arith.mulf %get3A_382, %get3A_386 : vector<16xf32>
      %swap3A_388 = arith.index_cast %scan3A_296 : i32 to index
      %swap3A_389 = arith.constant 96 : index
      %swap3A_390 = tpu.vector_load %arg11[%swap3A_388, %swap3A_389] {strides = array<i32>} : memref<64x128xf32, #tpu.memory_space<vmem>>, vector<1x16xf32>,
      %swap3A_391 = vector.shape_cast %swap3A_390 : vector<1x16xf32> to vector<16xf32>
      %swap3A_392 = vector.shape_cast %mul3A_387 : vector<16xf32> to vector<1x16xf32>
      tpu.vector_store %arg11[%swap3A_388, %swap3A_389], %swap3A_392 {strides = array<i32>} : memref<64x128xf32, #tpu.memory_space<vmem>>, vector<1x16xf32>,
      %get3A_393 = arith.index_cast %scan3A_296 : i32 to index
      %get3A_394 = arith.constant 112 : index
      %get3A_395 = tpu.vector_load %arg11[%get3A_393, %get3A_394] {strides = array<i32>} : memref<64x128xf32, #tpu.memory_space<vmem>>, vector<1x16xf32>,
      %get3A_396 = vector.shape_cast %get3A_395 : vector<1x16xf32> to vector<16xf32>
      %get3A_397 = arith.index_cast %scan3A_296 : i32 to index
      %get3A_398 = arith.constant 112 : index
      %get3A_399 = tpu.vector_load %arg18[%get3A_397, %get3A_398] {strides = array<i32>} : memref<64x128xf32, #tpu.memory_space<vmem>>, vector<1x16xf32>,
      %get3A_400 = vector.shape_cast %get3A_399 : vector<1x16xf32> to vector<16xf32>
      %mul3A_401 = arith.mulf %get3A_396, %get3A_400 : vector<16xf32>
      %swap3A_402 = arith.index_cast %scan3A_296 : i32 to index
      %swap3A_403 = arith.constant 112 : index
      %swap3A_404 = tpu.vector_load %arg11[%swap3A_402, %swap3A_403] {strides = array<i32>} : memref<64x128xf32, #tpu.memory_space<vmem>>, vector<1x16xf32>,
      %swap3A_405 = vector.shape_cast %swap3A_404 : vector<1x16xf32> to vector<16xf32>
      %swap3A_406 = vector.shape_cast %mul3A_401 : vector<16xf32> to vector<1x16xf32>
      tpu.vector_store %arg11[%swap3A_402, %swap3A_403], %swap3A_406 {strides = array<i32>} : memref<64x128xf32, #tpu.memory_space<vmem>>, vector<1x16xf32>,
    }
    %scan3A_151 = arith.constant 64 : i32
    %add3A_152 = arith.constant 128 : i32
    %add3A_153 = arith.addi %mul3A_2, %add3A_152 : i32
    %dma_start3A_154 = arith.constant 0 : i32
    %dma_start3A_155 = tpu.memref_slice %arg6[%add3A_153, %dma_start3A_154] : memref<16384x128xf32, #tpu.memory_space<hbm>> -> memref<64x128xf32, #tpu.memory_space<hbm>>
    %dma_start3A_156 = arith.constant 0 : i32
    %dma_start3A_157 = tpu.memref_slice %arg6[%add3A_153, %dma_start3A_156] : memref<16384x128xf32, #tpu.memory_space<hbm>> -> memref<64x128xf32, #tpu.memory_space<hbm>>
    tpu.enqueue_dma source(%arg11 : memref<64x128xf32, #tpu.memory_space<vmem>>) target(%dma_start3A_157 : memref<64x128xf32, #tpu.memory_space<hbm>>) target_semaphore(%arg33 : memref<!tpu.dma_semaphore, #tpu.memory_space<semaphore_mem>>)
    %dma_wait3A_158 = arith.constant 192 : i32
    %dma_wait3A_159 = tpu.memref_slice %arg7[%dma_wait3A_158] : memref<512xi32, #tpu.memory_space<vmem>> -> memref<64xi32, #tpu.memory_space<vmem>>
    %dma_wait3A_160 = arith.constant 0 : i32
    %dma_wait3A_161 = arith.constant 0 : i32
    %dma_wait3A_162 = tpu.memref_slice %arg4[%dma_wait3A_160, %dma_wait3A_161] : memref<100000x128xf32, #tpu.memory_space<hbm>> -> memref<100000x128xf32, #tpu.memory_space<hbm>>
    tpu.wait_indirect_dma semaphore(%arg27 : memref<!tpu.dma_semaphore, #tpu.memory_space<semaphore_mem>>) src(%dma_wait3A_162 : memref<100000x128xf32, #tpu.memory_space<hbm>>) dst(%arg12 : memref<64x128xf32, #tpu.memory_space<vmem>>)
    %dma_wait3A_163 = arith.constant 192 : i32
    %dma_wait3A_164 = tpu.memref_slice %arg8[%dma_wait3A_163] : memref<512xi32, #tpu.memory_space<vmem>> -> memref<64xi32, #tpu.memory_space<vmem>>
    %dma_wait3A_165 = arith.constant 0 : i32
    %dma_wait3A_166 = arith.constant 0 : i32
    %dma_wait3A_167 = tpu.memref_slice %arg5[%dma_wait3A_165, %dma_wait3A_166] : memref<100000x128xf32, #tpu.memory_space<hbm>> -> memref<100000x128xf32, #tpu.memory_space<hbm>>
    tpu.wait_indirect_dma semaphore(%arg27 : memref<!tpu.dma_semaphore, #tpu.memory_space<semaphore_mem>>) src(%dma_wait3A_167 : memref<100000x128xf32, #tpu.memory_space<hbm>>) dst(%arg19 : memref<64x128xf32, #tpu.memory_space<vmem>>)
    %scan3A_168 = arith.constant 0 : i32
    %scan3A_169 = arith.constant 0 : i32
    %scan3A_170 = arith.constant 64 : i32
    %scan3A_171 = arith.addi %scan3A_169, %scan3A_170 : i32
    %scan3A_172 = arith.constant 1 : i32
    scf.for %scan3A_296 = %scan3A_169 to %scan3A_171 step %scan3A_172  : i32 {
      %get3A = arith.index_cast %scan3A_296 : i32 to index
      %get3A_297 = arith.constant 0 : index
      %get3A_298 = tpu.vector_load %arg12[%get3A, %get3A_297] {strides = array<i32>} : memref<64x128xf32, #tpu.memory_space<vmem>>, vector<1x16xf32>,
      %get3A_299 = vector.shape_cast %get3A_298 : vector<1x16xf32> to vector<16xf32>
      %get3A_300 = arith.index_cast %scan3A_296 : i32 to index
      %get3A_301 = arith.constant 0 : index
      %get3A_302 = tpu.vector_load %arg19[%get3A_300, %get3A_301] {strides = array<i32>} : memref<64x128xf32, #tpu.memory_space<vmem>>, vector<1x16xf32>,
      %get3A_303 = vector.shape_cast %get3A_302 : vector<1x16xf32> to vector<16xf32>
      %mul3A_304 = arith.mulf %get3A_299, %get3A_303 : vector<16xf32>
      %swap3A = arith.index_cast %scan3A_296 : i32 to index
      %swap3A_305 = arith.constant 0 : index
      %swap3A_306 = tpu.vector_load %arg12[%swap3A, %swap3A_305] {strides = array<i32>} : memref<64x128xf32, #tpu.memory_space<vmem>>, vector<1x16xf32>,
      %swap3A_307 = vector.shape_cast %swap3A_306 : vector<1x16xf32> to vector<16xf32>
      %swap3A_308 = vector.shape_cast %mul3A_304 : vector<16xf32> to vector<1x16xf32>
      tpu.vector_store %arg12[%swap3A, %swap3A_305], %swap3A_308 {strides = array<i32>} : memref<64x128xf32, #tpu.memory_space<vmem>>, vector<1x16xf32>,
      %get3A_309 = arith.index_cast %scan3A_296 : i32 to index
      %get3A_310 = arith.constant 16 : index
      %get3A_311 = tpu.vector_load %arg12[%get3A_309, %get3A_310] {strides = array<i32>} : memref<64x128xf32, #tpu.memory_space<vmem>>, vector<1x16xf32>,
      %get3A_312 = vector.shape_cast %get3A_311 : vector<1x16xf32> to vector<16xf32>
      %get3A_313 = arith.index_cast %scan3A_296 : i32 to index
      %get3A_314 = arith.constant 16 : index
      %get3A_315 = tpu.vector_load %arg19[%get3A_313, %get3A_314] {strides = array<i32>} : memref<64x128xf32, #tpu.memory_space<vmem>>, vector<1x16xf32>,
      %get3A_316 = vector.shape_cast %get3A_315 : vector<1x16xf32> to vector<16xf32>
      %mul3A_317 = arith.mulf %get3A_312, %get3A_316 : vector<16xf32>
      %swap3A_318 = arith.index_cast %scan3A_296 : i32 to index
      %swap3A_319 = arith.constant 16 : index
      %swap3A_320 = tpu.vector_load %arg12[%swap3A_318, %swap3A_319] {strides = array<i32>} : memref<64x128xf32, #tpu.memory_space<vmem>>, vector<1x16xf32>,
      %swap3A_321 = vector.shape_cast %swap3A_320 : vector<1x16xf32> to vector<16xf32>
      %swap3A_322 = vector.shape_cast %mul3A_317 : vector<16xf32> to vector<1x16xf32>
      tpu.vector_store %arg12[%swap3A_318, %swap3A_319], %swap3A_322 {strides = array<i32>} : memref<64x128xf32, #tpu.memory_space<vmem>>, vector<1x16xf32>,
      %get3A_323 = arith.index_cast %scan3A_296 : i32 to index
      %get3A_324 = arith.constant 32 : index
      %get3A_325 = tpu.vector_load %arg12[%get3A_323, %get3A_324] {strides = array<i32>} : memref<64x128xf32, #tpu.memory_space<vmem>>, vector<1x16xf32>,
      %get3A_326 = vector.shape_cast %get3A_325 : vector<1x16xf32> to vector<16xf32>
      %get3A_327 = arith.index_cast %scan3A_296 : i32 to index
      %get3A_328 = arith.constant 32 : index
      %get3A_329 = tpu.vector_load %arg19[%get3A_327, %get3A_328] {strides = array<i32>} : memref<64x128xf32, #tpu.memory_space<vmem>>, vector<1x16xf32>,
      %get3A_330 = vector.shape_cast %get3A_329 : vector<1x16xf32> to vector<16xf32>
      %mul3A_331 = arith.mulf %get3A_326, %get3A_330 : vector<16xf32>
      %swap3A_332 = arith.index_cast %scan3A_296 : i32 to index
      %swap3A_333 = arith.constant 32 : index
      %swap3A_334 = tpu.vector_load %arg12[%swap3A_332, %swap3A_333] {strides = array<i32>} : memref<64x128xf32, #tpu.memory_space<vmem>>, vector<1x16xf32>,
      %swap3A_335 = vector.shape_cast %swap3A_334 : vector<1x16xf32> to vector<16xf32>
      %swap3A_336 = vector.shape_cast %mul3A_331 : vector<16xf32> to vector<1x16xf32>
      tpu.vector_store %arg12[%swap3A_332, %swap3A_333], %swap3A_336 {strides = array<i32>} : memref<64x128xf32, #tpu.memory_space<vmem>>, vector<1x16xf32>,
      %get3A_337 = arith.index_cast %scan3A_296 : i32 to index
      %get3A_338 = arith.constant 48 : index
      %get3A_339 = tpu.vector_load %arg12[%get3A_337, %get3A_338] {strides = array<i32>} : memref<64x128xf32, #tpu.memory_space<vmem>>, vector<1x16xf32>,
      %get3A_340 = vector.shape_cast %get3A_339 : vector<1x16xf32> to vector<16xf32>
      %get3A_341 = arith.index_cast %scan3A_296 : i32 to index
      %get3A_342 = arith.constant 48 : index
      %get3A_343 = tpu.vector_load %arg19[%get3A_341, %get3A_342] {strides = array<i32>} : memref<64x128xf32, #tpu.memory_space<vmem>>, vector<1x16xf32>,
      %get3A_344 = vector.shape_cast %get3A_343 : vector<1x16xf32> to vector<16xf32>
      %mul3A_345 = arith.mulf %get3A_340, %get3A_344 : vector<16xf32>
      %swap3A_346 = arith.index_cast %scan3A_296 : i32 to index
      %swap3A_347 = arith.constant 48 : index
      %swap3A_348 = tpu.vector_load %arg12[%swap3A_346, %swap3A_347] {strides = array<i32>} : memref<64x128xf32, #tpu.memory_space<vmem>>, vector<1x16xf32>,
      %swap3A_349 = vector.shape_cast %swap3A_348 : vector<1x16xf32> to vector<16xf32>
      %swap3A_350 = vector.shape_cast %mul3A_345 : vector<16xf32> to vector<1x16xf32>
      tpu.vector_store %arg12[%swap3A_346, %swap3A_347], %swap3A_350 {strides = array<i32>} : memref<64x128xf32, #tpu.memory_space<vmem>>, vector<1x16xf32>,
      %get3A_351 = arith.index_cast %scan3A_296 : i32 to index
      %get3A_352 = arith.constant 64 : index
      %get3A_353 = tpu.vector_load %arg12[%get3A_351, %get3A_352] {strides = array<i32>} : memref<64x128xf32, #tpu.memory_space<vmem>>, vector<1x16xf32>,
      %get3A_354 = vector.shape_cast %get3A_353 : vector<1x16xf32> to vector<16xf32>
      %get3A_355 = arith.index_cast %scan3A_296 : i32 to index
      %get3A_356 = arith.constant 64 : index
      %get3A_357 = tpu.vector_load %arg19[%get3A_355, %get3A_356] {strides = array<i32>} : memref<64x128xf32, #tpu.memory_space<vmem>>, vector<1x16xf32>,
      %get3A_358 = vector.shape_cast %get3A_357 : vector<1x16xf32> to vector<16xf32>
      %mul3A_359 = arith.mulf %get3A_354, %get3A_358 : vector<16xf32>
      %swap3A_360 = arith.index_cast %scan3A_296 : i32 to index
      %swap3A_361 = arith.constant 64 : index
      %swap3A_362 = tpu.vector_load %arg12[%swap3A_360, %swap3A_361] {strides = array<i32>} : memref<64x128xf32, #tpu.memory_space<vmem>>, vector<1x16xf32>,
      %swap3A_363 = vector.shape_cast %swap3A_362 : vector<1x16xf32> to vector<16xf32>
      %swap3A_364 = vector.shape_cast %mul3A_359 : vector<16xf32> to vector<1x16xf32>
      tpu.vector_store %arg12[%swap3A_360, %swap3A_361], %swap3A_364 {strides = array<i32>} : memref<64x128xf32, #tpu.memory_space<vmem>>, vector<1x16xf32>,
      %get3A_365 = arith.index_cast %scan3A_296 : i32 to index
      %get3A_366 = arith.constant 80 : index
      %get3A_367 = tpu.vector_load %arg12[%get3A_365, %get3A_366] {strides = array<i32>} : memref<64x128xf32, #tpu.memory_space<vmem>>, vector<1x16xf32>,
      %get3A_368 = vector.shape_cast %get3A_367 : vector<1x16xf32> to vector<16xf32>
      %get3A_369 = arith.index_cast %scan3A_296 : i32 to index
      %get3A_370 = arith.constant 80 : index
      %get3A_371 = tpu.vector_load %arg19[%get3A_369, %get3A_370] {strides = array<i32>} : memref<64x128xf32, #tpu.memory_space<vmem>>, vector<1x16xf32>,
      %get3A_372 = vector.shape_cast %get3A_371 : vector<1x16xf32> to vector<16xf32>
      %mul3A_373 = arith.mulf %get3A_368, %get3A_372 : vector<16xf32>
      %swap3A_374 = arith.index_cast %scan3A_296 : i32 to index
      %swap3A_375 = arith.constant 80 : index
      %swap3A_376 = tpu.vector_load %arg12[%swap3A_374, %swap3A_375] {strides = array<i32>} : memref<64x128xf32, #tpu.memory_space<vmem>>, vector<1x16xf32>,
      %swap3A_377 = vector.shape_cast %swap3A_376 : vector<1x16xf32> to vector<16xf32>
      %swap3A_378 = vector.shape_cast %mul3A_373 : vector<16xf32> to vector<1x16xf32>
      tpu.vector_store %arg12[%swap3A_374, %swap3A_375], %swap3A_378 {strides = array<i32>} : memref<64x128xf32, #tpu.memory_space<vmem>>, vector<1x16xf32>,
      %get3A_379 = arith.index_cast %scan3A_296 : i32 to index
      %get3A_380 = arith.constant 96 : index
      %get3A_381 = tpu.vector_load %arg12[%get3A_379, %get3A_380] {strides = array<i32>} : memref<64x128xf32, #tpu.memory_space<vmem>>, vector<1x16xf32>,
      %get3A_382 = vector.shape_cast %get3A_381 : vector<1x16xf32> to vector<16xf32>
      %get3A_383 = arith.index_cast %scan3A_296 : i32 to index
      %get3A_384 = arith.constant 96 : index
      %get3A_385 = tpu.vector_load %arg19[%get3A_383, %get3A_384] {strides = array<i32>} : memref<64x128xf32, #tpu.memory_space<vmem>>, vector<1x16xf32>,
      %get3A_386 = vector.shape_cast %get3A_385 : vector<1x16xf32> to vector<16xf32>
      %mul3A_387 = arith.mulf %get3A_382, %get3A_386 : vector<16xf32>
      %swap3A_388 = arith.index_cast %scan3A_296 : i32 to index
      %swap3A_389 = arith.constant 96 : index
      %swap3A_390 = tpu.vector_load %arg12[%swap3A_388, %swap3A_389] {strides = array<i32>} : memref<64x128xf32, #tpu.memory_space<vmem>>, vector<1x16xf32>,
      %swap3A_391 = vector.shape_cast %swap3A_390 : vector<1x16xf32> to vector<16xf32>
      %swap3A_392 = vector.shape_cast %mul3A_387 : vector<16xf32> to vector<1x16xf32>
      tpu.vector_store %arg12[%swap3A_388, %swap3A_389], %swap3A_392 {strides = array<i32>} : memref<64x128xf32, #tpu.memory_space<vmem>>, vector<1x16xf32>,
      %get3A_393 = arith.index_cast %scan3A_296 : i32 to index
      %get3A_394 = arith.constant 112 : index
      %get3A_395 = tpu.vector_load %arg12[%get3A_393, %get3A_394] {strides = array<i32>} : memref<64x128xf32, #tpu.memory_space<vmem>>, vector<1x16xf32>,
      %get3A_396 = vector.shape_cast %get3A_395 : vector<1x16xf32> to vector<16xf32>
      %get3A_397 = arith.index_cast %scan3A_296 : i32 to index
      %get3A_398 = arith.constant 112 : index
      %get3A_399 = tpu.vector_load %arg19[%get3A_397, %get3A_398] {strides = array<i32>} : memref<64x128xf32, #tpu.memory_space<vmem>>, vector<1x16xf32>,
      %get3A_400 = vector.shape_cast %get3A_399 : vector<1x16xf32> to vector<16xf32>
      %mul3A_401 = arith.mulf %get3A_396, %get3A_400 : vector<16xf32>
      %swap3A_402 = arith.index_cast %scan3A_296 : i32 to index
      %swap3A_403 = arith.constant 112 : index
      %swap3A_404 = tpu.vector_load %arg12[%swap3A_402, %swap3A_403] {strides = array<i32>} : memref<64x128xf32, #tpu.memory_space<vmem>>, vector<1x16xf32>,
      %swap3A_405 = vector.shape_cast %swap3A_404 : vector<1x16xf32> to vector<16xf32>
      %swap3A_406 = vector.shape_cast %mul3A_401 : vector<16xf32> to vector<1x16xf32>
      tpu.vector_store %arg12[%swap3A_402, %swap3A_403], %swap3A_406 {strides = array<i32>} : memref<64x128xf32, #tpu.memory_space<vmem>>, vector<1x16xf32>,
    }
    %scan3A_173 = arith.constant 64 : i32
    %add3A_174 = arith.constant 192 : i32
    %add3A_175 = arith.addi %mul3A_2, %add3A_174 : i32
    %dma_start3A_176 = arith.constant 0 : i32
    %dma_start3A_177 = tpu.memref_slice %arg6[%add3A_175, %dma_start3A_176] : memref<16384x128xf32, #tpu.memory_space<hbm>> -> memref<64x128xf32, #tpu.memory_space<hbm>>
    %dma_start3A_178 = arith.constant 0 : i32
    %dma_start3A_179 = tpu.memref_slice %arg6[%add3A_175, %dma_start3A_178] : memref<16384x128xf32, #tpu.memory_space<hbm>> -> memref<64x128xf32, #tpu.memory_space<hbm>>
    tpu.enqueue_dma source(%arg12 : memref<64x128xf32, #tpu.memory_space<vmem>>) target(%dma_start3A_179 : memref<64x128xf32, #tpu.memory_space<hbm>>) target_semaphore(%arg34 : memref<!tpu.dma_semaphore, #tpu.memory_space<semaphore_mem>>)
    %dma_wait3A_180 = arith.constant 256 : i32
    %dma_wait3A_181 = tpu.memref_slice %arg7[%dma_wait3A_180] : memref<512xi32, #tpu.memory_space<vmem>> -> memref<64xi32, #tpu.memory_space<vmem>>
    %dma_wait3A_182 = arith.constant 0 : i32
    %dma_wait3A_183 = arith.constant 0 : i32
    %dma_wait3A_184 = tpu.memref_slice %arg4[%dma_wait3A_182, %dma_wait3A_183] : memref<100000x128xf32, #tpu.memory_space<hbm>> -> memref<100000x128xf32, #tpu.memory_space<hbm>>
    tpu.wait_indirect_dma semaphore(%arg28 : memref<!tpu.dma_semaphore, #tpu.memory_space<semaphore_mem>>) src(%dma_wait3A_184 : memref<100000x128xf32, #tpu.memory_space<hbm>>) dst(%arg13 : memref<64x128xf32, #tpu.memory_space<vmem>>)
    %dma_wait3A_185 = arith.constant 256 : i32
    %dma_wait3A_186 = tpu.memref_slice %arg8[%dma_wait3A_185] : memref<512xi32, #tpu.memory_space<vmem>> -> memref<64xi32, #tpu.memory_space<vmem>>
    %dma_wait3A_187 = arith.constant 0 : i32
    %dma_wait3A_188 = arith.constant 0 : i32
    %dma_wait3A_189 = tpu.memref_slice %arg5[%dma_wait3A_187, %dma_wait3A_188] : memref<100000x128xf32, #tpu.memory_space<hbm>> -> memref<100000x128xf32, #tpu.memory_space<hbm>>
    tpu.wait_indirect_dma semaphore(%arg28 : memref<!tpu.dma_semaphore, #tpu.memory_space<semaphore_mem>>) src(%dma_wait3A_189 : memref<100000x128xf32, #tpu.memory_space<hbm>>) dst(%arg20 : memref<64x128xf32, #tpu.memory_space<vmem>>)
    %scan3A_190 = arith.constant 0 : i32
    %scan3A_191 = arith.constant 0 : i32
    %scan3A_192 = arith.constant 64 : i32
    %scan3A_193 = arith.addi %scan3A_191, %scan3A_192 : i32
    %scan3A_194 = arith.constant 1 : i32
    scf.for %scan3A_296 = %scan3A_191 to %scan3A_193 step %scan3A_194  : i32 {
      %get3A = arith.index_cast %scan3A_296 : i32 to index
      %get3A_297 = arith.constant 0 : index
      %get3A_298 = tpu.vector_load %arg13[%get3A, %get3A_297] {strides = array<i32>} : memref<64x128xf32, #tpu.memory_space<vmem>>, vector<1x16xf32>,
      %get3A_299 = vector.shape_cast %get3A_298 : vector<1x16xf32> to vector<16xf32>
      %get3A_300 = arith.index_cast %scan3A_296 : i32 to index
      %get3A_301 = arith.constant 0 : index
      %get3A_302 = tpu.vector_load %arg20[%get3A_300, %get3A_301] {strides = array<i32>} : memref<64x128xf32, #tpu.memory_space<vmem>>, vector<1x16xf32>,
      %get3A_303 = vector.shape_cast %get3A_302 : vector<1x16xf32> to vector<16xf32>
      %mul3A_304 = arith.mulf %get3A_299, %get3A_303 : vector<16xf32>
      %swap3A = arith.index_cast %scan3A_296 : i32 to index
      %swap3A_305 = arith.constant 0 : index
      %swap3A_306 = tpu.vector_load %arg13[%swap3A, %swap3A_305] {strides = array<i32>} : memref<64x128xf32, #tpu.memory_space<vmem>>, vector<1x16xf32>,
      %swap3A_307 = vector.shape_cast %swap3A_306 : vector<1x16xf32> to vector<16xf32>
      %swap3A_308 = vector.shape_cast %mul3A_304 : vector<16xf32> to vector<1x16xf32>
      tpu.vector_store %arg13[%swap3A, %swap3A_305], %swap3A_308 {strides = array<i32>} : memref<64x128xf32, #tpu.memory_space<vmem>>, vector<1x16xf32>,
      %get3A_309 = arith.index_cast %scan3A_296 : i32 to index
      %get3A_310 = arith.constant 16 : index
      %get3A_311 = tpu.vector_load %arg13[%get3A_309, %get3A_310] {strides = array<i32>} : memref<64x128xf32, #tpu.memory_space<vmem>>, vector<1x16xf32>,
      %get3A_312 = vector.shape_cast %get3A_311 : vector<1x16xf32> to vector<16xf32>
      %get3A_313 = arith.index_cast %scan3A_296 : i32 to index
      %get3A_314 = arith.constant 16 : index
      %get3A_315 = tpu.vector_load %arg20[%get3A_313, %get3A_314] {strides = array<i32>} : memref<64x128xf32, #tpu.memory_space<vmem>>, vector<1x16xf32>,
      %get3A_316 = vector.shape_cast %get3A_315 : vector<1x16xf32> to vector<16xf32>
      %mul3A_317 = arith.mulf %get3A_312, %get3A_316 : vector<16xf32>
      %swap3A_318 = arith.index_cast %scan3A_296 : i32 to index
      %swap3A_319 = arith.constant 16 : index
      %swap3A_320 = tpu.vector_load %arg13[%swap3A_318, %swap3A_319] {strides = array<i32>} : memref<64x128xf32, #tpu.memory_space<vmem>>, vector<1x16xf32>,
      %swap3A_321 = vector.shape_cast %swap3A_320 : vector<1x16xf32> to vector<16xf32>
      %swap3A_322 = vector.shape_cast %mul3A_317 : vector<16xf32> to vector<1x16xf32>
      tpu.vector_store %arg13[%swap3A_318, %swap3A_319], %swap3A_322 {strides = array<i32>} : memref<64x128xf32, #tpu.memory_space<vmem>>, vector<1x16xf32>,
      %get3A_323 = arith.index_cast %scan3A_296 : i32 to index
      %get3A_324 = arith.constant 32 : index
      %get3A_325 = tpu.vector_load %arg13[%get3A_323, %get3A_324] {strides = array<i32>} : memref<64x128xf32, #tpu.memory_space<vmem>>, vector<1x16xf32>,
      %get3A_326 = vector.shape_cast %get3A_325 : vector<1x16xf32> to vector<16xf32>
      %get3A_327 = arith.index_cast %scan3A_296 : i32 to index
      %get3A_328 = arith.constant 32 : index
      %get3A_329 = tpu.vector_load %arg20[%get3A_327, %get3A_328] {strides = array<i32>} : memref<64x128xf32, #tpu.memory_space<vmem>>, vector<1x16xf32>,
      %get3A_330 = vector.shape_cast %get3A_329 : vector<1x16xf32> to vector<16xf32>
      %mul3A_331 = arith.mulf %get3A_326, %get3A_330 : vector<16xf32>
      %swap3A_332 = arith.index_cast %scan3A_296 : i32 to index
      %swap3A_333 = arith.constant 32 : index
      %swap3A_334 = tpu.vector_load %arg13[%swap3A_332, %swap3A_333] {strides = array<i32>} : memref<64x128xf32, #tpu.memory_space<vmem>>, vector<1x16xf32>,
      %swap3A_335 = vector.shape_cast %swap3A_334 : vector<1x16xf32> to vector<16xf32>
      %swap3A_336 = vector.shape_cast %mul3A_331 : vector<16xf32> to vector<1x16xf32>
      tpu.vector_store %arg13[%swap3A_332, %swap3A_333], %swap3A_336 {strides = array<i32>} : memref<64x128xf32, #tpu.memory_space<vmem>>, vector<1x16xf32>,
      %get3A_337 = arith.index_cast %scan3A_296 : i32 to index
      %get3A_338 = arith.constant 48 : index
      %get3A_339 = tpu.vector_load %arg13[%get3A_337, %get3A_338] {strides = array<i32>} : memref<64x128xf32, #tpu.memory_space<vmem>>, vector<1x16xf32>,
      %get3A_340 = vector.shape_cast %get3A_339 : vector<1x16xf32> to vector<16xf32>
      %get3A_341 = arith.index_cast %scan3A_296 : i32 to index
      %get3A_342 = arith.constant 48 : index
      %get3A_343 = tpu.vector_load %arg20[%get3A_341, %get3A_342] {strides = array<i32>} : memref<64x128xf32, #tpu.memory_space<vmem>>, vector<1x16xf32>,
      %get3A_344 = vector.shape_cast %get3A_343 : vector<1x16xf32> to vector<16xf32>
      %mul3A_345 = arith.mulf %get3A_340, %get3A_344 : vector<16xf32>
      %swap3A_346 = arith.index_cast %scan3A_296 : i32 to index
      %swap3A_347 = arith.constant 48 : index
      %swap3A_348 = tpu.vector_load %arg13[%swap3A_346, %swap3A_347] {strides = array<i32>} : memref<64x128xf32, #tpu.memory_space<vmem>>, vector<1x16xf32>,
      %swap3A_349 = vector.shape_cast %swap3A_348 : vector<1x16xf32> to vector<16xf32>
      %swap3A_350 = vector.shape_cast %mul3A_345 : vector<16xf32> to vector<1x16xf32>
      tpu.vector_store %arg13[%swap3A_346, %swap3A_347], %swap3A_350 {strides = array<i32>} : memref<64x128xf32, #tpu.memory_space<vmem>>, vector<1x16xf32>,
      %get3A_351 = arith.index_cast %scan3A_296 : i32 to index
      %get3A_352 = arith.constant 64 : index
      %get3A_353 = tpu.vector_load %arg13[%get3A_351, %get3A_352] {strides = array<i32>} : memref<64x128xf32, #tpu.memory_space<vmem>>, vector<1x16xf32>,
      %get3A_354 = vector.shape_cast %get3A_353 : vector<1x16xf32> to vector<16xf32>
      %get3A_355 = arith.index_cast %scan3A_296 : i32 to index
      %get3A_356 = arith.constant 64 : index
      %get3A_357 = tpu.vector_load %arg20[%get3A_355, %get3A_356] {strides = array<i32>} : memref<64x128xf32, #tpu.memory_space<vmem>>, vector<1x16xf32>,
      %get3A_358 = vector.shape_cast %get3A_357 : vector<1x16xf32> to vector<16xf32>
      %mul3A_359 = arith.mulf %get3A_354, %get3A_358 : vector<16xf32>
      %swap3A_360 = arith.index_cast %scan3A_296 : i32 to index
      %swap3A_361 = arith.constant 64 : index
      %swap3A_362 = tpu.vector_load %arg13[%swap3A_360, %swap3A_361] {strides = array<i32>} : memref<64x128xf32, #tpu.memory_space<vmem>>, vector<1x16xf32>,
      %swap3A_363 = vector.shape_cast %swap3A_362 : vector<1x16xf32> to vector<16xf32>
      %swap3A_364 = vector.shape_cast %mul3A_359 : vector<16xf32> to vector<1x16xf32>
      tpu.vector_store %arg13[%swap3A_360, %swap3A_361], %swap3A_364 {strides = array<i32>} : memref<64x128xf32, #tpu.memory_space<vmem>>, vector<1x16xf32>,
      %get3A_365 = arith.index_cast %scan3A_296 : i32 to index
      %get3A_366 = arith.constant 80 : index
      %get3A_367 = tpu.vector_load %arg13[%get3A_365, %get3A_366] {strides = array<i32>} : memref<64x128xf32, #tpu.memory_space<vmem>>, vector<1x16xf32>,
      %get3A_368 = vector.shape_cast %get3A_367 : vector<1x16xf32> to vector<16xf32>
      %get3A_369 = arith.index_cast %scan3A_296 : i32 to index
      %get3A_370 = arith.constant 80 : index
      %get3A_371 = tpu.vector_load %arg20[%get3A_369, %get3A_370] {strides = array<i32>} : memref<64x128xf32, #tpu.memory_space<vmem>>, vector<1x16xf32>,
      %get3A_372 = vector.shape_cast %get3A_371 : vector<1x16xf32> to vector<16xf32>
      %mul3A_373 = arith.mulf %get3A_368, %get3A_372 : vector<16xf32>
      %swap3A_374 = arith.index_cast %scan3A_296 : i32 to index
      %swap3A_375 = arith.constant 80 : index
      %swap3A_376 = tpu.vector_load %arg13[%swap3A_374, %swap3A_375] {strides = array<i32>} : memref<64x128xf32, #tpu.memory_space<vmem>>, vector<1x16xf32>,
      %swap3A_377 = vector.shape_cast %swap3A_376 : vector<1x16xf32> to vector<16xf32>
      %swap3A_378 = vector.shape_cast %mul3A_373 : vector<16xf32> to vector<1x16xf32>
      tpu.vector_store %arg13[%swap3A_374, %swap3A_375], %swap3A_378 {strides = array<i32>} : memref<64x128xf32, #tpu.memory_space<vmem>>, vector<1x16xf32>,
      %get3A_379 = arith.index_cast %scan3A_296 : i32 to index
      %get3A_380 = arith.constant 96 : index
      %get3A_381 = tpu.vector_load %arg13[%get3A_379, %get3A_380] {strides = array<i32>} : memref<64x128xf32, #tpu.memory_space<vmem>>, vector<1x16xf32>,
      %get3A_382 = vector.shape_cast %get3A_381 : vector<1x16xf32> to vector<16xf32>
      %get3A_383 = arith.index_cast %scan3A_296 : i32 to index
      %get3A_384 = arith.constant 96 : index
      %get3A_385 = tpu.vector_load %arg20[%get3A_383, %get3A_384] {strides = array<i32>} : memref<64x128xf32, #tpu.memory_space<vmem>>, vector<1x16xf32>,
      %get3A_386 = vector.shape_cast %get3A_385 : vector<1x16xf32> to vector<16xf32>
      %mul3A_387 = arith.mulf %get3A_382, %get3A_386 : vector<16xf32>
      %swap3A_388 = arith.index_cast %scan3A_296 : i32 to index
      %swap3A_389 = arith.constant 96 : index
      %swap3A_390 = tpu.vector_load %arg13[%swap3A_388, %swap3A_389] {strides = array<i32>} : memref<64x128xf32, #tpu.memory_space<vmem>>, vector<1x16xf32>,
      %swap3A_391 = vector.shape_cast %swap3A_390 : vector<1x16xf32> to vector<16xf32>
      %swap3A_392 = vector.shape_cast %mul3A_387 : vector<16xf32> to vector<1x16xf32>
      tpu.vector_store %arg13[%swap3A_388, %swap3A_389], %swap3A_392 {strides = array<i32>} : memref<64x128xf32, #tpu.memory_space<vmem>>, vector<1x16xf32>,
      %get3A_393 = arith.index_cast %scan3A_296 : i32 to index
      %get3A_394 = arith.constant 112 : index
      %get3A_395 = tpu.vector_load %arg13[%get3A_393, %get3A_394] {strides = array<i32>} : memref<64x128xf32, #tpu.memory_space<vmem>>, vector<1x16xf32>,
      %get3A_396 = vector.shape_cast %get3A_395 : vector<1x16xf32> to vector<16xf32>
      %get3A_397 = arith.index_cast %scan3A_296 : i32 to index
      %get3A_398 = arith.constant 112 : index
      %get3A_399 = tpu.vector_load %arg20[%get3A_397, %get3A_398] {strides = array<i32>} : memref<64x128xf32, #tpu.memory_space<vmem>>, vector<1x16xf32>,
      %get3A_400 = vector.shape_cast %get3A_399 : vector<1x16xf32> to vector<16xf32>
      %mul3A_401 = arith.mulf %get3A_396, %get3A_400 : vector<16xf32>
      %swap3A_402 = arith.index_cast %scan3A_296 : i32 to index
      %swap3A_403 = arith.constant 112 : index
      %swap3A_404 = tpu.vector_load %arg13[%swap3A_402, %swap3A_403] {strides = array<i32>} : memref<64x128xf32, #tpu.memory_space<vmem>>, vector<1x16xf32>,
      %swap3A_405 = vector.shape_cast %swap3A_404 : vector<1x16xf32> to vector<16xf32>
      %swap3A_406 = vector.shape_cast %mul3A_401 : vector<16xf32> to vector<1x16xf32>
      tpu.vector_store %arg13[%swap3A_402, %swap3A_403], %swap3A_406 {strides = array<i32>} : memref<64x128xf32, #tpu.memory_space<vmem>>, vector<1x16xf32>,
    }
    %scan3A_195 = arith.constant 64 : i32
    %add3A_196 = arith.constant 256 : i32
    %add3A_197 = arith.addi %mul3A_2, %add3A_196 : i32
    %dma_start3A_198 = arith.constant 0 : i32
    %dma_start3A_199 = tpu.memref_slice %arg6[%add3A_197, %dma_start3A_198] : memref<16384x128xf32, #tpu.memory_space<hbm>> -> memref<64x128xf32, #tpu.memory_space<hbm>>
    %dma_start3A_200 = arith.constant 0 : i32
    %dma_start3A_201 = tpu.memref_slice %arg6[%add3A_197, %dma_start3A_200] : memref<16384x128xf32, #tpu.memory_space<hbm>> -> memref<64x128xf32, #tpu.memory_space<hbm>>
    tpu.enqueue_dma source(%arg13 : memref<64x128xf32, #tpu.memory_space<vmem>>) target(%dma_start3A_201 : memref<64x128xf32, #tpu.memory_space<hbm>>) target_semaphore(%arg35 : memref<!tpu.dma_semaphore, #tpu.memory_space<semaphore_mem>>)
    %dma_wait3A_202 = arith.constant 320 : i32
    %dma_wait3A_203 = tpu.memref_slice %arg7[%dma_wait3A_202] : memref<512xi32, #tpu.memory_space<vmem>> -> memref<64xi32, #tpu.memory_space<vmem>>
    %dma_wait3A_204 = arith.constant 0 : i32
    %dma_wait3A_205 = arith.constant 0 : i32
    %dma_wait3A_206 = tpu.memref_slice %arg4[%dma_wait3A_204, %dma_wait3A_205] : memref<100000x128xf32, #tpu.memory_space<hbm>> -> memref<100000x128xf32, #tpu.memory_space<hbm>>
    tpu.wait_indirect_dma semaphore(%arg29 : memref<!tpu.dma_semaphore, #tpu.memory_space<semaphore_mem>>) src(%dma_wait3A_206 : memref<100000x128xf32, #tpu.memory_space<hbm>>) dst(%arg14 : memref<64x128xf32, #tpu.memory_space<vmem>>)
    %dma_wait3A_207 = arith.constant 320 : i32
    %dma_wait3A_208 = tpu.memref_slice %arg8[%dma_wait3A_207] : memref<512xi32, #tpu.memory_space<vmem>> -> memref<64xi32, #tpu.memory_space<vmem>>
    %dma_wait3A_209 = arith.constant 0 : i32
    %dma_wait3A_210 = arith.constant 0 : i32
    %dma_wait3A_211 = tpu.memref_slice %arg5[%dma_wait3A_209, %dma_wait3A_210] : memref<100000x128xf32, #tpu.memory_space<hbm>> -> memref<100000x128xf32, #tpu.memory_space<hbm>>
    tpu.wait_indirect_dma semaphore(%arg29 : memref<!tpu.dma_semaphore, #tpu.memory_space<semaphore_mem>>) src(%dma_wait3A_211 : memref<100000x128xf32, #tpu.memory_space<hbm>>) dst(%arg21 : memref<64x128xf32, #tpu.memory_space<vmem>>)
    %scan3A_212 = arith.constant 0 : i32
    %scan3A_213 = arith.constant 0 : i32
    %scan3A_214 = arith.constant 64 : i32
    %scan3A_215 = arith.addi %scan3A_213, %scan3A_214 : i32
    %scan3A_216 = arith.constant 1 : i32
    scf.for %scan3A_296 = %scan3A_213 to %scan3A_215 step %scan3A_216  : i32 {
      %get3A = arith.index_cast %scan3A_296 : i32 to index
      %get3A_297 = arith.constant 0 : index
      %get3A_298 = tpu.vector_load %arg14[%get3A, %get3A_297] {strides = array<i32>} : memref<64x128xf32, #tpu.memory_space<vmem>>, vector<1x16xf32>,
      %get3A_299 = vector.shape_cast %get3A_298 : vector<1x16xf32> to vector<16xf32>
      %get3A_300 = arith.index_cast %scan3A_296 : i32 to index
      %get3A_301 = arith.constant 0 : index
      %get3A_302 = tpu.vector_load %arg21[%get3A_300, %get3A_301] {strides = array<i32>} : memref<64x128xf32, #tpu.memory_space<vmem>>, vector<1x16xf32>,
      %get3A_303 = vector.shape_cast %get3A_302 : vector<1x16xf32> to vector<16xf32>
      %mul3A_304 = arith.mulf %get3A_299, %get3A_303 : vector<16xf32>
      %swap3A = arith.index_cast %scan3A_296 : i32 to index
      %swap3A_305 = arith.constant 0 : index
      %swap3A_306 = tpu.vector_load %arg14[%swap3A, %swap3A_305] {strides = array<i32>} : memref<64x128xf32, #tpu.memory_space<vmem>>, vector<1x16xf32>,
      %swap3A_307 = vector.shape_cast %swap3A_306 : vector<1x16xf32> to vector<16xf32>
      %swap3A_308 = vector.shape_cast %mul3A_304 : vector<16xf32> to vector<1x16xf32>
      tpu.vector_store %arg14[%swap3A, %swap3A_305], %swap3A_308 {strides = array<i32>} : memref<64x128xf32, #tpu.memory_space<vmem>>, vector<1x16xf32>,
      %get3A_309 = arith.index_cast %scan3A_296 : i32 to index
      %get3A_310 = arith.constant 16 : index
      %get3A_311 = tpu.vector_load %arg14[%get3A_309, %get3A_310] {strides = array<i32>} : memref<64x128xf32, #tpu.memory_space<vmem>>, vector<1x16xf32>,
      %get3A_312 = vector.shape_cast %get3A_311 : vector<1x16xf32> to vector<16xf32>
      %get3A_313 = arith.index_cast %scan3A_296 : i32 to index
      %get3A_314 = arith.constant 16 : index
      %get3A_315 = tpu.vector_load %arg21[%get3A_313, %get3A_314] {strides = array<i32>} : memref<64x128xf32, #tpu.memory_space<vmem>>, vector<1x16xf32>,
      %get3A_316 = vector.shape_cast %get3A_315 : vector<1x16xf32> to vector<16xf32>
      %mul3A_317 = arith.mulf %get3A_312, %get3A_316 : vector<16xf32>
      %swap3A_318 = arith.index_cast %scan3A_296 : i32 to index
      %swap3A_319 = arith.constant 16 : index
      %swap3A_320 = tpu.vector_load %arg14[%swap3A_318, %swap3A_319] {strides = array<i32>} : memref<64x128xf32, #tpu.memory_space<vmem>>, vector<1x16xf32>,
      %swap3A_321 = vector.shape_cast %swap3A_320 : vector<1x16xf32> to vector<16xf32>
      %swap3A_322 = vector.shape_cast %mul3A_317 : vector<16xf32> to vector<1x16xf32>
      tpu.vector_store %arg14[%swap3A_318, %swap3A_319], %swap3A_322 {strides = array<i32>} : memref<64x128xf32, #tpu.memory_space<vmem>>, vector<1x16xf32>,
      %get3A_323 = arith.index_cast %scan3A_296 : i32 to index
      %get3A_324 = arith.constant 32 : index
      %get3A_325 = tpu.vector_load %arg14[%get3A_323, %get3A_324] {strides = array<i32>} : memref<64x128xf32, #tpu.memory_space<vmem>>, vector<1x16xf32>,
      %get3A_326 = vector.shape_cast %get3A_325 : vector<1x16xf32> to vector<16xf32>
      %get3A_327 = arith.index_cast %scan3A_296 : i32 to index
      %get3A_328 = arith.constant 32 : index
      %get3A_329 = tpu.vector_load %arg21[%get3A_327, %get3A_328] {strides = array<i32>} : memref<64x128xf32, #tpu.memory_space<vmem>>, vector<1x16xf32>,
      %get3A_330 = vector.shape_cast %get3A_329 : vector<1x16xf32> to vector<16xf32>
      %mul3A_331 = arith.mulf %get3A_326, %get3A_330 : vector<16xf32>
      %swap3A_332 = arith.index_cast %scan3A_296 : i32 to index
      %swap3A_333 = arith.constant 32 : index
      %swap3A_334 = tpu.vector_load %arg14[%swap3A_332, %swap3A_333] {strides = array<i32>} : memref<64x128xf32, #tpu.memory_space<vmem>>, vector<1x16xf32>,
      %swap3A_335 = vector.shape_cast %swap3A_334 : vector<1x16xf32> to vector<16xf32>
      %swap3A_336 = vector.shape_cast %mul3A_331 : vector<16xf32> to vector<1x16xf32>
      tpu.vector_store %arg14[%swap3A_332, %swap3A_333], %swap3A_336 {strides = array<i32>} : memref<64x128xf32, #tpu.memory_space<vmem>>, vector<1x16xf32>,
      %get3A_337 = arith.index_cast %scan3A_296 : i32 to index
      %get3A_338 = arith.constant 48 : index
      %get3A_339 = tpu.vector_load %arg14[%get3A_337, %get3A_338] {strides = array<i32>} : memref<64x128xf32, #tpu.memory_space<vmem>>, vector<1x16xf32>,
      %get3A_340 = vector.shape_cast %get3A_339 : vector<1x16xf32> to vector<16xf32>
      %get3A_341 = arith.index_cast %scan3A_296 : i32 to index
      %get3A_342 = arith.constant 48 : index
      %get3A_343 = tpu.vector_load %arg21[%get3A_341, %get3A_342] {strides = array<i32>} : memref<64x128xf32, #tpu.memory_space<vmem>>, vector<1x16xf32>,
      %get3A_344 = vector.shape_cast %get3A_343 : vector<1x16xf32> to vector<16xf32>
      %mul3A_345 = arith.mulf %get3A_340, %get3A_344 : vector<16xf32>
      %swap3A_346 = arith.index_cast %scan3A_296 : i32 to index
      %swap3A_347 = arith.constant 48 : index
      %swap3A_348 = tpu.vector_load %arg14[%swap3A_346, %swap3A_347] {strides = array<i32>} : memref<64x128xf32, #tpu.memory_space<vmem>>, vector<1x16xf32>,
      %swap3A_349 = vector.shape_cast %swap3A_348 : vector<1x16xf32> to vector<16xf32>
      %swap3A_350 = vector.shape_cast %mul3A_345 : vector<16xf32> to vector<1x16xf32>
      tpu.vector_store %arg14[%swap3A_346, %swap3A_347], %swap3A_350 {strides = array<i32>} : memref<64x128xf32, #tpu.memory_space<vmem>>, vector<1x16xf32>,
      %get3A_351 = arith.index_cast %scan3A_296 : i32 to index
      %get3A_352 = arith.constant 64 : index
      %get3A_353 = tpu.vector_load %arg14[%get3A_351, %get3A_352] {strides = array<i32>} : memref<64x128xf32, #tpu.memory_space<vmem>>, vector<1x16xf32>,
      %get3A_354 = vector.shape_cast %get3A_353 : vector<1x16xf32> to vector<16xf32>
      %get3A_355 = arith.index_cast %scan3A_296 : i32 to index
      %get3A_356 = arith.constant 64 : index
      %get3A_357 = tpu.vector_load %arg21[%get3A_355, %get3A_356] {strides = array<i32>} : memref<64x128xf32, #tpu.memory_space<vmem>>, vector<1x16xf32>,
      %get3A_358 = vector.shape_cast %get3A_357 : vector<1x16xf32> to vector<16xf32>
      %mul3A_359 = arith.mulf %get3A_354, %get3A_358 : vector<16xf32>
      %swap3A_360 = arith.index_cast %scan3A_296 : i32 to index
      %swap3A_361 = arith.constant 64 : index
      %swap3A_362 = tpu.vector_load %arg14[%swap3A_360, %swap3A_361] {strides = array<i32>} : memref<64x128xf32, #tpu.memory_space<vmem>>, vector<1x16xf32>,
      %swap3A_363 = vector.shape_cast %swap3A_362 : vector<1x16xf32> to vector<16xf32>
      %swap3A_364 = vector.shape_cast %mul3A_359 : vector<16xf32> to vector<1x16xf32>
      tpu.vector_store %arg14[%swap3A_360, %swap3A_361], %swap3A_364 {strides = array<i32>} : memref<64x128xf32, #tpu.memory_space<vmem>>, vector<1x16xf32>,
      %get3A_365 = arith.index_cast %scan3A_296 : i32 to index
      %get3A_366 = arith.constant 80 : index
      %get3A_367 = tpu.vector_load %arg14[%get3A_365, %get3A_366] {strides = array<i32>} : memref<64x128xf32, #tpu.memory_space<vmem>>, vector<1x16xf32>,
      %get3A_368 = vector.shape_cast %get3A_367 : vector<1x16xf32> to vector<16xf32>
      %get3A_369 = arith.index_cast %scan3A_296 : i32 to index
      %get3A_370 = arith.constant 80 : index
      %get3A_371 = tpu.vector_load %arg21[%get3A_369, %get3A_370] {strides = array<i32>} : memref<64x128xf32, #tpu.memory_space<vmem>>, vector<1x16xf32>,
      %get3A_372 = vector.shape_cast %get3A_371 : vector<1x16xf32> to vector<16xf32>
      %mul3A_373 = arith.mulf %get3A_368, %get3A_372 : vector<16xf32>
      %swap3A_374 = arith.index_cast %scan3A_296 : i32 to index
      %swap3A_375 = arith.constant 80 : index
      %swap3A_376 = tpu.vector_load %arg14[%swap3A_374, %swap3A_375] {strides = array<i32>} : memref<64x128xf32, #tpu.memory_space<vmem>>, vector<1x16xf32>,
      %swap3A_377 = vector.shape_cast %swap3A_376 : vector<1x16xf32> to vector<16xf32>
      %swap3A_378 = vector.shape_cast %mul3A_373 : vector<16xf32> to vector<1x16xf32>
      tpu.vector_store %arg14[%swap3A_374, %swap3A_375], %swap3A_378 {strides = array<i32>} : memref<64x128xf32, #tpu.memory_space<vmem>>, vector<1x16xf32>,
      %get3A_379 = arith.index_cast %scan3A_296 : i32 to index
      %get3A_380 = arith.constant 96 : index
      %get3A_381 = tpu.vector_load %arg14[%get3A_379, %get3A_380] {strides = array<i32>} : memref<64x128xf32, #tpu.memory_space<vmem>>, vector<1x16xf32>,
      %get3A_382 = vector.shape_cast %get3A_381 : vector<1x16xf32> to vector<16xf32>
      %get3A_383 = arith.index_cast %scan3A_296 : i32 to index
      %get3A_384 = arith.constant 96 : index
      %get3A_385 = tpu.vector_load %arg21[%get3A_383, %get3A_384] {strides = array<i32>} : memref<64x128xf32, #tpu.memory_space<vmem>>, vector<1x16xf32>,
      %get3A_386 = vector.shape_cast %get3A_385 : vector<1x16xf32> to vector<16xf32>
      %mul3A_387 = arith.mulf %get3A_382, %get3A_386 : vector<16xf32>
      %swap3A_388 = arith.index_cast %scan3A_296 : i32 to index
      %swap3A_389 = arith.constant 96 : index
      %swap3A_390 = tpu.vector_load %arg14[%swap3A_388, %swap3A_389] {strides = array<i32>} : memref<64x128xf32, #tpu.memory_space<vmem>>, vector<1x16xf32>,
      %swap3A_391 = vector.shape_cast %swap3A_390 : vector<1x16xf32> to vector<16xf32>
      %swap3A_392 = vector.shape_cast %mul3A_387 : vector<16xf32> to vector<1x16xf32>
      tpu.vector_store %arg14[%swap3A_388, %swap3A_389], %swap3A_392 {strides = array<i32>} : memref<64x128xf32, #tpu.memory_space<vmem>>, vector<1x16xf32>,
      %get3A_393 = arith.index_cast %scan3A_296 : i32 to index
      %get3A_394 = arith.constant 112 : index
      %get3A_395 = tpu.vector_load %arg14[%get3A_393, %get3A_394] {strides = array<i32>} : memref<64x128xf32, #tpu.memory_space<vmem>>, vector<1x16xf32>,
      %get3A_396 = vector.shape_cast %get3A_395 : vector<1x16xf32> to vector<16xf32>
      %get3A_397 = arith.index_cast %scan3A_296 : i32 to index
      %get3A_398 = arith.constant 112 : index
      %get3A_399 = tpu.vector_load %arg21[%get3A_397, %get3A_398] {strides = array<i32>} : memref<64x128xf32, #tpu.memory_space<vmem>>, vector<1x16xf32>,
      %get3A_400 = vector.shape_cast %get3A_399 : vector<1x16xf32> to vector<16xf32>
      %mul3A_401 = arith.mulf %get3A_396, %get3A_400 : vector<16xf32>
      %swap3A_402 = arith.index_cast %scan3A_296 : i32 to index
      %swap3A_403 = arith.constant 112 : index
      %swap3A_404 = tpu.vector_load %arg14[%swap3A_402, %swap3A_403] {strides = array<i32>} : memref<64x128xf32, #tpu.memory_space<vmem>>, vector<1x16xf32>,
      %swap3A_405 = vector.shape_cast %swap3A_404 : vector<1x16xf32> to vector<16xf32>
      %swap3A_406 = vector.shape_cast %mul3A_401 : vector<16xf32> to vector<1x16xf32>
      tpu.vector_store %arg14[%swap3A_402, %swap3A_403], %swap3A_406 {strides = array<i32>} : memref<64x128xf32, #tpu.memory_space<vmem>>, vector<1x16xf32>,
    }
    %scan3A_217 = arith.constant 64 : i32
    %add3A_218 = arith.constant 320 : i32
    %add3A_219 = arith.addi %mul3A_2, %add3A_218 : i32
    %dma_start3A_220 = arith.constant 0 : i32
    %dma_start3A_221 = tpu.memref_slice %arg6[%add3A_219, %dma_start3A_220] : memref<16384x128xf32, #tpu.memory_space<hbm>> -> memref<64x128xf32, #tpu.memory_space<hbm>>
    %dma_start3A_222 = arith.constant 0 : i32
    %dma_start3A_223 = tpu.memref_slice %arg6[%add3A_219, %dma_start3A_222] : memref<16384x128xf32, #tpu.memory_space<hbm>> -> memref<64x128xf32, #tpu.memory_space<hbm>>
    tpu.enqueue_dma source(%arg14 : memref<64x128xf32, #tpu.memory_space<vmem>>) target(%dma_start3A_223 : memref<64x128xf32, #tpu.memory_space<hbm>>) target_semaphore(%arg36 : memref<!tpu.dma_semaphore, #tpu.memory_space<semaphore_mem>>)
    %dma_wait3A_224 = arith.constant 384 : i32
    %dma_wait3A_225 = tpu.memref_slice %arg7[%dma_wait3A_224] : memref<512xi32, #tpu.memory_space<vmem>> -> memref<64xi32, #tpu.memory_space<vmem>>
    %dma_wait3A_226 = arith.constant 0 : i32
    %dma_wait3A_227 = arith.constant 0 : i32
    %dma_wait3A_228 = tpu.memref_slice %arg4[%dma_wait3A_226, %dma_wait3A_227] : memref<100000x128xf32, #tpu.memory_space<hbm>> -> memref<100000x128xf32, #tpu.memory_space<hbm>>
    tpu.wait_indirect_dma semaphore(%arg30 : memref<!tpu.dma_semaphore, #tpu.memory_space<semaphore_mem>>) src(%dma_wait3A_228 : memref<100000x128xf32, #tpu.memory_space<hbm>>) dst(%arg15 : memref<64x128xf32, #tpu.memory_space<vmem>>)
    %dma_wait3A_229 = arith.constant 384 : i32
    %dma_wait3A_230 = tpu.memref_slice %arg8[%dma_wait3A_229] : memref<512xi32, #tpu.memory_space<vmem>> -> memref<64xi32, #tpu.memory_space<vmem>>
    %dma_wait3A_231 = arith.constant 0 : i32
    %dma_wait3A_232 = arith.constant 0 : i32
    %dma_wait3A_233 = tpu.memref_slice %arg5[%dma_wait3A_231, %dma_wait3A_232] : memref<100000x128xf32, #tpu.memory_space<hbm>> -> memref<100000x128xf32, #tpu.memory_space<hbm>>
    tpu.wait_indirect_dma semaphore(%arg30 : memref<!tpu.dma_semaphore, #tpu.memory_space<semaphore_mem>>) src(%dma_wait3A_233 : memref<100000x128xf32, #tpu.memory_space<hbm>>) dst(%arg22 : memref<64x128xf32, #tpu.memory_space<vmem>>)
    %scan3A_234 = arith.constant 0 : i32
    %scan3A_235 = arith.constant 0 : i32
    %scan3A_236 = arith.constant 64 : i32
    %scan3A_237 = arith.addi %scan3A_235, %scan3A_236 : i32
    %scan3A_238 = arith.constant 1 : i32
    scf.for %scan3A_296 = %scan3A_235 to %scan3A_237 step %scan3A_238  : i32 {
      %get3A = arith.index_cast %scan3A_296 : i32 to index
      %get3A_297 = arith.constant 0 : index
      %get3A_298 = tpu.vector_load %arg15[%get3A, %get3A_297] {strides = array<i32>} : memref<64x128xf32, #tpu.memory_space<vmem>>, vector<1x16xf32>,
      %get3A_299 = vector.shape_cast %get3A_298 : vector<1x16xf32> to vector<16xf32>
      %get3A_300 = arith.index_cast %scan3A_296 : i32 to index
      %get3A_301 = arith.constant 0 : index
      %get3A_302 = tpu.vector_load %arg22[%get3A_300, %get3A_301] {strides = array<i32>} : memref<64x128xf32, #tpu.memory_space<vmem>>, vector<1x16xf32>,
      %get3A_303 = vector.shape_cast %get3A_302 : vector<1x16xf32> to vector<16xf32>
      %mul3A_304 = arith.mulf %get3A_299, %get3A_303 : vector<16xf32>
      %swap3A = arith.index_cast %scan3A_296 : i32 to index
      %swap3A_305 = arith.constant 0 : index
      %swap3A_306 = tpu.vector_load %arg15[%swap3A, %swap3A_305] {strides = array<i32>} : memref<64x128xf32, #tpu.memory_space<vmem>>, vector<1x16xf32>,
      %swap3A_307 = vector.shape_cast %swap3A_306 : vector<1x16xf32> to vector<16xf32>
      %swap3A_308 = vector.shape_cast %mul3A_304 : vector<16xf32> to vector<1x16xf32>
      tpu.vector_store %arg15[%swap3A, %swap3A_305], %swap3A_308 {strides = array<i32>} : memref<64x128xf32, #tpu.memory_space<vmem>>, vector<1x16xf32>,
      %get3A_309 = arith.index_cast %scan3A_296 : i32 to index
      %get3A_310 = arith.constant 16 : index
      %get3A_311 = tpu.vector_load %arg15[%get3A_309, %get3A_310] {strides = array<i32>} : memref<64x128xf32, #tpu.memory_space<vmem>>, vector<1x16xf32>,
      %get3A_312 = vector.shape_cast %get3A_311 : vector<1x16xf32> to vector<16xf32>
      %get3A_313 = arith.index_cast %scan3A_296 : i32 to index
      %get3A_314 = arith.constant 16 : index
      %get3A_315 = tpu.vector_load %arg22[%get3A_313, %get3A_314] {strides = array<i32>} : memref<64x128xf32, #tpu.memory_space<vmem>>, vector<1x16xf32>,
      %get3A_316 = vector.shape_cast %get3A_315 : vector<1x16xf32> to vector<16xf32>
      %mul3A_317 = arith.mulf %get3A_312, %get3A_316 : vector<16xf32>
      %swap3A_318 = arith.index_cast %scan3A_296 : i32 to index
      %swap3A_319 = arith.constant 16 : index
      %swap3A_320 = tpu.vector_load %arg15[%swap3A_318, %swap3A_319] {strides = array<i32>} : memref<64x128xf32, #tpu.memory_space<vmem>>, vector<1x16xf32>,
      %swap3A_321 = vector.shape_cast %swap3A_320 : vector<1x16xf32> to vector<16xf32>
      %swap3A_322 = vector.shape_cast %mul3A_317 : vector<16xf32> to vector<1x16xf32>
      tpu.vector_store %arg15[%swap3A_318, %swap3A_319], %swap3A_322 {strides = array<i32>} : memref<64x128xf32, #tpu.memory_space<vmem>>, vector<1x16xf32>,
      %get3A_323 = arith.index_cast %scan3A_296 : i32 to index
      %get3A_324 = arith.constant 32 : index
      %get3A_325 = tpu.vector_load %arg15[%get3A_323, %get3A_324] {strides = array<i32>} : memref<64x128xf32, #tpu.memory_space<vmem>>, vector<1x16xf32>,
      %get3A_326 = vector.shape_cast %get3A_325 : vector<1x16xf32> to vector<16xf32>
      %get3A_327 = arith.index_cast %scan3A_296 : i32 to index
      %get3A_328 = arith.constant 32 : index
      %get3A_329 = tpu.vector_load %arg22[%get3A_327, %get3A_328] {strides = array<i32>} : memref<64x128xf32, #tpu.memory_space<vmem>>, vector<1x16xf32>,
      %get3A_330 = vector.shape_cast %get3A_329 : vector<1x16xf32> to vector<16xf32>
      %mul3A_331 = arith.mulf %get3A_326, %get3A_330 : vector<16xf32>
      %swap3A_332 = arith.index_cast %scan3A_296 : i32 to index
      %swap3A_333 = arith.constant 32 : index
      %swap3A_334 = tpu.vector_load %arg15[%swap3A_332, %swap3A_333] {strides = array<i32>} : memref<64x128xf32, #tpu.memory_space<vmem>>, vector<1x16xf32>,
      %swap3A_335 = vector.shape_cast %swap3A_334 : vector<1x16xf32> to vector<16xf32>
      %swap3A_336 = vector.shape_cast %mul3A_331 : vector<16xf32> to vector<1x16xf32>
      tpu.vector_store %arg15[%swap3A_332, %swap3A_333], %swap3A_336 {strides = array<i32>} : memref<64x128xf32, #tpu.memory_space<vmem>>, vector<1x16xf32>,
      %get3A_337 = arith.index_cast %scan3A_296 : i32 to index
      %get3A_338 = arith.constant 48 : index
      %get3A_339 = tpu.vector_load %arg15[%get3A_337, %get3A_338] {strides = array<i32>} : memref<64x128xf32, #tpu.memory_space<vmem>>, vector<1x16xf32>,
      %get3A_340 = vector.shape_cast %get3A_339 : vector<1x16xf32> to vector<16xf32>
      %get3A_341 = arith.index_cast %scan3A_296 : i32 to index
      %get3A_342 = arith.constant 48 : index
      %get3A_343 = tpu.vector_load %arg22[%get3A_341, %get3A_342] {strides = array<i32>} : memref<64x128xf32, #tpu.memory_space<vmem>>, vector<1x16xf32>,
      %get3A_344 = vector.shape_cast %get3A_343 : vector<1x16xf32> to vector<16xf32>
      %mul3A_345 = arith.mulf %get3A_340, %get3A_344 : vector<16xf32>
      %swap3A_346 = arith.index_cast %scan3A_296 : i32 to index
      %swap3A_347 = arith.constant 48 : index
      %swap3A_348 = tpu.vector_load %arg15[%swap3A_346, %swap3A_347] {strides = array<i32>} : memref<64x128xf32, #tpu.memory_space<vmem>>, vector<1x16xf32>,
      %swap3A_349 = vector.shape_cast %swap3A_348 : vector<1x16xf32> to vector<16xf32>
      %swap3A_350 = vector.shape_cast %mul3A_345 : vector<16xf32> to vector<1x16xf32>
      tpu.vector_store %arg15[%swap3A_346, %swap3A_347], %swap3A_350 {strides = array<i32>} : memref<64x128xf32, #tpu.memory_space<vmem>>, vector<1x16xf32>,
      %get3A_351 = arith.index_cast %scan3A_296 : i32 to index
      %get3A_352 = arith.constant 64 : index
      %get3A_353 = tpu.vector_load %arg15[%get3A_351, %get3A_352] {strides = array<i32>} : memref<64x128xf32, #tpu.memory_space<vmem>>, vector<1x16xf32>,
      %get3A_354 = vector.shape_cast %get3A_353 : vector<1x16xf32> to vector<16xf32>
      %get3A_355 = arith.index_cast %scan3A_296 : i32 to index
      %get3A_356 = arith.constant 64 : index
      %get3A_357 = tpu.vector_load %arg22[%get3A_355, %get3A_356] {strides = array<i32>} : memref<64x128xf32, #tpu.memory_space<vmem>>, vector<1x16xf32>,
      %get3A_358 = vector.shape_cast %get3A_357 : vector<1x16xf32> to vector<16xf32>
      %mul3A_359 = arith.mulf %get3A_354, %get3A_358 : vector<16xf32>
      %swap3A_360 = arith.index_cast %scan3A_296 : i32 to index
      %swap3A_361 = arith.constant 64 : index
      %swap3A_362 = tpu.vector_load %arg15[%swap3A_360, %swap3A_361] {strides = array<i32>} : memref<64x128xf32, #tpu.memory_space<vmem>>, vector<1x16xf32>,
      %swap3A_363 = vector.shape_cast %swap3A_362 : vector<1x16xf32> to vector<16xf32>
      %swap3A_364 = vector.shape_cast %mul3A_359 : vector<16xf32> to vector<1x16xf32>
      tpu.vector_store %arg15[%swap3A_360, %swap3A_361], %swap3A_364 {strides = array<i32>} : memref<64x128xf32, #tpu.memory_space<vmem>>, vector<1x16xf32>,
      %get3A_365 = arith.index_cast %scan3A_296 : i32 to index
      %get3A_366 = arith.constant 80 : index
      %get3A_367 = tpu.vector_load %arg15[%get3A_365, %get3A_366] {strides = array<i32>} : memref<64x128xf32, #tpu.memory_space<vmem>>, vector<1x16xf32>,
      %get3A_368 = vector.shape_cast %get3A_367 : vector<1x16xf32> to vector<16xf32>
      %get3A_369 = arith.index_cast %scan3A_296 : i32 to index
      %get3A_370 = arith.constant 80 : index
      %get3A_371 = tpu.vector_load %arg22[%get3A_369, %get3A_370] {strides = array<i32>} : memref<64x128xf32, #tpu.memory_space<vmem>>, vector<1x16xf32>,
      %get3A_372 = vector.shape_cast %get3A_371 : vector<1x16xf32> to vector<16xf32>
      %mul3A_373 = arith.mulf %get3A_368, %get3A_372 : vector<16xf32>
      %swap3A_374 = arith.index_cast %scan3A_296 : i32 to index
      %swap3A_375 = arith.constant 80 : index
      %swap3A_376 = tpu.vector_load %arg15[%swap3A_374, %swap3A_375] {strides = array<i32>} : memref<64x128xf32, #tpu.memory_space<vmem>>, vector<1x16xf32>,
      %swap3A_377 = vector.shape_cast %swap3A_376 : vector<1x16xf32> to vector<16xf32>
      %swap3A_378 = vector.shape_cast %mul3A_373 : vector<16xf32> to vector<1x16xf32>
      tpu.vector_store %arg15[%swap3A_374, %swap3A_375], %swap3A_378 {strides = array<i32>} : memref<64x128xf32, #tpu.memory_space<vmem>>, vector<1x16xf32>,
      %get3A_379 = arith.index_cast %scan3A_296 : i32 to index
      %get3A_380 = arith.constant 96 : index
      %get3A_381 = tpu.vector_load %arg15[%get3A_379, %get3A_380] {strides = array<i32>} : memref<64x128xf32, #tpu.memory_space<vmem>>, vector<1x16xf32>,
      %get3A_382 = vector.shape_cast %get3A_381 : vector<1x16xf32> to vector<16xf32>
      %get3A_383 = arith.index_cast %scan3A_296 : i32 to index
      %get3A_384 = arith.constant 96 : index
      %get3A_385 = tpu.vector_load %arg22[%get3A_383, %get3A_384] {strides = array<i32>} : memref<64x128xf32, #tpu.memory_space<vmem>>, vector<1x16xf32>,
      %get3A_386 = vector.shape_cast %get3A_385 : vector<1x16xf32> to vector<16xf32>
      %mul3A_387 = arith.mulf %get3A_382, %get3A_386 : vector<16xf32>
      %swap3A_388 = arith.index_cast %scan3A_296 : i32 to index
      %swap3A_389 = arith.constant 96 : index
      %swap3A_390 = tpu.vector_load %arg15[%swap3A_388, %swap3A_389] {strides = array<i32>} : memref<64x128xf32, #tpu.memory_space<vmem>>, vector<1x16xf32>,
      %swap3A_391 = vector.shape_cast %swap3A_390 : vector<1x16xf32> to vector<16xf32>
      %swap3A_392 = vector.shape_cast %mul3A_387 : vector<16xf32> to vector<1x16xf32>
      tpu.vector_store %arg15[%swap3A_388, %swap3A_389], %swap3A_392 {strides = array<i32>} : memref<64x128xf32, #tpu.memory_space<vmem>>, vector<1x16xf32>,
      %get3A_393 = arith.index_cast %scan3A_296 : i32 to index
      %get3A_394 = arith.constant 112 : index
      %get3A_395 = tpu.vector_load %arg15[%get3A_393, %get3A_394] {strides = array<i32>} : memref<64x128xf32, #tpu.memory_space<vmem>>, vector<1x16xf32>,
      %get3A_396 = vector.shape_cast %get3A_395 : vector<1x16xf32> to vector<16xf32>
      %get3A_397 = arith.index_cast %scan3A_296 : i32 to index
      %get3A_398 = arith.constant 112 : index
      %get3A_399 = tpu.vector_load %arg22[%get3A_397, %get3A_398] {strides = array<i32>} : memref<64x128xf32, #tpu.memory_space<vmem>>, vector<1x16xf32>,
      %get3A_400 = vector.shape_cast %get3A_399 : vector<1x16xf32> to vector<16xf32>
      %mul3A_401 = arith.mulf %get3A_396, %get3A_400 : vector<16xf32>
      %swap3A_402 = arith.index_cast %scan3A_296 : i32 to index
      %swap3A_403 = arith.constant 112 : index
      %swap3A_404 = tpu.vector_load %arg15[%swap3A_402, %swap3A_403] {strides = array<i32>} : memref<64x128xf32, #tpu.memory_space<vmem>>, vector<1x16xf32>,
      %swap3A_405 = vector.shape_cast %swap3A_404 : vector<1x16xf32> to vector<16xf32>
      %swap3A_406 = vector.shape_cast %mul3A_401 : vector<16xf32> to vector<1x16xf32>
      tpu.vector_store %arg15[%swap3A_402, %swap3A_403], %swap3A_406 {strides = array<i32>} : memref<64x128xf32, #tpu.memory_space<vmem>>, vector<1x16xf32>,
    }
    %scan3A_239 = arith.constant 64 : i32
    %add3A_240 = arith.constant 384 : i32
    %add3A_241 = arith.addi %mul3A_2, %add3A_240 : i32
    %dma_start3A_242 = arith.constant 0 : i32
    %dma_start3A_243 = tpu.memref_slice %arg6[%add3A_241, %dma_start3A_242] : memref<16384x128xf32, #tpu.memory_space<hbm>> -> memref<64x128xf32, #tpu.memory_space<hbm>>
    %dma_start3A_244 = arith.constant 0 : i32
    %dma_start3A_245 = tpu.memref_slice %arg6[%add3A_241, %dma_start3A_244] : memref<16384x128xf32, #tpu.memory_space<hbm>> -> memref<64x128xf32, #tpu.memory_space<hbm>>
    tpu.enqueue_dma source(%arg15 : memref<64x128xf32, #tpu.memory_space<vmem>>) target(%dma_start3A_245 : memref<64x128xf32, #tpu.memory_space<hbm>>) target_semaphore(%arg37 : memref<!tpu.dma_semaphore, #tpu.memory_space<semaphore_mem>>)
    %dma_wait3A_246 = arith.constant 448 : i32
    %dma_wait3A_247 = tpu.memref_slice %arg7[%dma_wait3A_246] : memref<512xi32, #tpu.memory_space<vmem>> -> memref<64xi32, #tpu.memory_space<vmem>>
    %dma_wait3A_248 = arith.constant 0 : i32
    %dma_wait3A_249 = arith.constant 0 : i32
    %dma_wait3A_250 = tpu.memref_slice %arg4[%dma_wait3A_248, %dma_wait3A_249] : memref<100000x128xf32, #tpu.memory_space<hbm>> -> memref<100000x128xf32, #tpu.memory_space<hbm>>
    tpu.wait_indirect_dma semaphore(%arg24 : memref<!tpu.dma_semaphore, #tpu.memory_space<semaphore_mem>>) src(%dma_wait3A_250 : memref<100000x128xf32, #tpu.memory_space<hbm>>) dst(%arg9 : memref<64x128xf32, #tpu.memory_space<vmem>>)
    %dma_wait3A_251 = arith.constant 448 : i32
    %dma_wait3A_252 = tpu.memref_slice %arg8[%dma_wait3A_251] : memref<512xi32, #tpu.memory_space<vmem>> -> memref<64xi32, #tpu.memory_space<vmem>>
    %dma_wait3A_253 = arith.constant 0 : i32
    %dma_wait3A_254 = arith.constant 0 : i32
    %dma_wait3A_255 = tpu.memref_slice %arg5[%dma_wait3A_253, %dma_wait3A_254] : memref<100000x128xf32, #tpu.memory_space<hbm>> -> memref<100000x128xf32, #tpu.memory_space<hbm>>
    tpu.wait_indirect_dma semaphore(%arg24 : memref<!tpu.dma_semaphore, #tpu.memory_space<semaphore_mem>>) src(%dma_wait3A_255 : memref<100000x128xf32, #tpu.memory_space<hbm>>) dst(%arg16 : memref<64x128xf32, #tpu.memory_space<vmem>>)
    %scan3A_256 = arith.constant 0 : i32
    %scan3A_257 = arith.constant 0 : i32
    %scan3A_258 = arith.constant 64 : i32
    %scan3A_259 = arith.addi %scan3A_257, %scan3A_258 : i32
    %scan3A_260 = arith.constant 1 : i32
    scf.for %scan3A_296 = %scan3A_257 to %scan3A_259 step %scan3A_260  : i32 {
      %get3A = arith.index_cast %scan3A_296 : i32 to index
      %get3A_297 = arith.constant 0 : index
      %get3A_298 = tpu.vector_load %arg9[%get3A, %get3A_297] {strides = array<i32>} : memref<64x128xf32, #tpu.memory_space<vmem>>, vector<1x16xf32>,
      %get3A_299 = vector.shape_cast %get3A_298 : vector<1x16xf32> to vector<16xf32>
      %get3A_300 = arith.index_cast %scan3A_296 : i32 to index
      %get3A_301 = arith.constant 0 : index
      %get3A_302 = tpu.vector_load %arg16[%get3A_300, %get3A_301] {strides = array<i32>} : memref<64x128xf32, #tpu.memory_space<vmem>>, vector<1x16xf32>,
      %get3A_303 = vector.shape_cast %get3A_302 : vector<1x16xf32> to vector<16xf32>
      %mul3A_304 = arith.mulf %get3A_299, %get3A_303 : vector<16xf32>
      %swap3A = arith.index_cast %scan3A_296 : i32 to index
      %swap3A_305 = arith.constant 0 : index
      %swap3A_306 = tpu.vector_load %arg9[%swap3A, %swap3A_305] {strides = array<i32>} : memref<64x128xf32, #tpu.memory_space<vmem>>, vector<1x16xf32>,
      %swap3A_307 = vector.shape_cast %swap3A_306 : vector<1x16xf32> to vector<16xf32>
      %swap3A_308 = vector.shape_cast %mul3A_304 : vector<16xf32> to vector<1x16xf32>
      tpu.vector_store %arg9[%swap3A, %swap3A_305], %swap3A_308 {strides = array<i32>} : memref<64x128xf32, #tpu.memory_space<vmem>>, vector<1x16xf32>,
      %get3A_309 = arith.index_cast %scan3A_296 : i32 to index
      %get3A_310 = arith.constant 16 : index
      %get3A_311 = tpu.vector_load %arg9[%get3A_309, %get3A_310] {strides = array<i32>} : memref<64x128xf32, #tpu.memory_space<vmem>>, vector<1x16xf32>,
      %get3A_312 = vector.shape_cast %get3A_311 : vector<1x16xf32> to vector<16xf32>
      %get3A_313 = arith.index_cast %scan3A_296 : i32 to index
      %get3A_314 = arith.constant 16 : index
      %get3A_315 = tpu.vector_load %arg16[%get3A_313, %get3A_314] {strides = array<i32>} : memref<64x128xf32, #tpu.memory_space<vmem>>, vector<1x16xf32>,
      %get3A_316 = vector.shape_cast %get3A_315 : vector<1x16xf32> to vector<16xf32>
      %mul3A_317 = arith.mulf %get3A_312, %get3A_316 : vector<16xf32>
      %swap3A_318 = arith.index_cast %scan3A_296 : i32 to index
      %swap3A_319 = arith.constant 16 : index
      %swap3A_320 = tpu.vector_load %arg9[%swap3A_318, %swap3A_319] {strides = array<i32>} : memref<64x128xf32, #tpu.memory_space<vmem>>, vector<1x16xf32>,
      %swap3A_321 = vector.shape_cast %swap3A_320 : vector<1x16xf32> to vector<16xf32>
      %swap3A_322 = vector.shape_cast %mul3A_317 : vector<16xf32> to vector<1x16xf32>
      tpu.vector_store %arg9[%swap3A_318, %swap3A_319], %swap3A_322 {strides = array<i32>} : memref<64x128xf32, #tpu.memory_space<vmem>>, vector<1x16xf32>,
      %get3A_323 = arith.index_cast %scan3A_296 : i32 to index
      %get3A_324 = arith.constant 32 : index
      %get3A_325 = tpu.vector_load %arg9[%get3A_323, %get3A_324] {strides = array<i32>} : memref<64x128xf32, #tpu.memory_space<vmem>>, vector<1x16xf32>,
      %get3A_326 = vector.shape_cast %get3A_325 : vector<1x16xf32> to vector<16xf32>
      %get3A_327 = arith.index_cast %scan3A_296 : i32 to index
      %get3A_328 = arith.constant 32 : index
      %get3A_329 = tpu.vector_load %arg16[%get3A_327, %get3A_328] {strides = array<i32>} : memref<64x128xf32, #tpu.memory_space<vmem>>, vector<1x16xf32>,
      %get3A_330 = vector.shape_cast %get3A_329 : vector<1x16xf32> to vector<16xf32>
      %mul3A_331 = arith.mulf %get3A_326, %get3A_330 : vector<16xf32>
      %swap3A_332 = arith.index_cast %scan3A_296 : i32 to index
      %swap3A_333 = arith.constant 32 : index
      %swap3A_334 = tpu.vector_load %arg9[%swap3A_332, %swap3A_333] {strides = array<i32>} : memref<64x128xf32, #tpu.memory_space<vmem>>, vector<1x16xf32>,
      %swap3A_335 = vector.shape_cast %swap3A_334 : vector<1x16xf32> to vector<16xf32>
      %swap3A_336 = vector.shape_cast %mul3A_331 : vector<16xf32> to vector<1x16xf32>
      tpu.vector_store %arg9[%swap3A_332, %swap3A_333], %swap3A_336 {strides = array<i32>} : memref<64x128xf32, #tpu.memory_space<vmem>>, vector<1x16xf32>,
      %get3A_337 = arith.index_cast %scan3A_296 : i32 to index
      %get3A_338 = arith.constant 48 : index
      %get3A_339 = tpu.vector_load %arg9[%get3A_337, %get3A_338] {strides = array<i32>} : memref<64x128xf32, #tpu.memory_space<vmem>>, vector<1x16xf32>,
      %get3A_340 = vector.shape_cast %get3A_339 : vector<1x16xf32> to vector<16xf32>
      %get3A_341 = arith.index_cast %scan3A_296 : i32 to index
      %get3A_342 = arith.constant 48 : index
      %get3A_343 = tpu.vector_load %arg16[%get3A_341, %get3A_342] {strides = array<i32>} : memref<64x128xf32, #tpu.memory_space<vmem>>, vector<1x16xf32>,
      %get3A_344 = vector.shape_cast %get3A_343 : vector<1x16xf32> to vector<16xf32>
      %mul3A_345 = arith.mulf %get3A_340, %get3A_344 : vector<16xf32>
      %swap3A_346 = arith.index_cast %scan3A_296 : i32 to index
      %swap3A_347 = arith.constant 48 : index
      %swap3A_348 = tpu.vector_load %arg9[%swap3A_346, %swap3A_347] {strides = array<i32>} : memref<64x128xf32, #tpu.memory_space<vmem>>, vector<1x16xf32>,
      %swap3A_349 = vector.shape_cast %swap3A_348 : vector<1x16xf32> to vector<16xf32>
      %swap3A_350 = vector.shape_cast %mul3A_345 : vector<16xf32> to vector<1x16xf32>
      tpu.vector_store %arg9[%swap3A_346, %swap3A_347], %swap3A_350 {strides = array<i32>} : memref<64x128xf32, #tpu.memory_space<vmem>>, vector<1x16xf32>,
      %get3A_351 = arith.index_cast %scan3A_296 : i32 to index
      %get3A_352 = arith.constant 64 : index
      %get3A_353 = tpu.vector_load %arg9[%get3A_351, %get3A_352] {strides = array<i32>} : memref<64x128xf32, #tpu.memory_space<vmem>>, vector<1x16xf32>,
      %get3A_354 = vector.shape_cast %get3A_353 : vector<1x16xf32> to vector<16xf32>
      %get3A_355 = arith.index_cast %scan3A_296 : i32 to index
      %get3A_356 = arith.constant 64 : index
      %get3A_357 = tpu.vector_load %arg16[%get3A_355, %get3A_356] {strides = array<i32>} : memref<64x128xf32, #tpu.memory_space<vmem>>, vector<1x16xf32>,
      %get3A_358 = vector.shape_cast %get3A_357 : vector<1x16xf32> to vector<16xf32>
      %mul3A_359 = arith.mulf %get3A_354, %get3A_358 : vector<16xf32>
      %swap3A_360 = arith.index_cast %scan3A_296 : i32 to index
      %swap3A_361 = arith.constant 64 : index
      %swap3A_362 = tpu.vector_load %arg9[%swap3A_360, %swap3A_361] {strides = array<i32>} : memref<64x128xf32, #tpu.memory_space<vmem>>, vector<1x16xf32>,
      %swap3A_363 = vector.shape_cast %swap3A_362 : vector<1x16xf32> to vector<16xf32>
      %swap3A_364 = vector.shape_cast %mul3A_359 : vector<16xf32> to vector<1x16xf32>
      tpu.vector_store %arg9[%swap3A_360, %swap3A_361], %swap3A_364 {strides = array<i32>} : memref<64x128xf32, #tpu.memory_space<vmem>>, vector<1x16xf32>,
      %get3A_365 = arith.index_cast %scan3A_296 : i32 to index
      %get3A_366 = arith.constant 80 : index
      %get3A_367 = tpu.vector_load %arg9[%get3A_365, %get3A_366] {strides = array<i32>} : memref<64x128xf32, #tpu.memory_space<vmem>>, vector<1x16xf32>,
      %get3A_368 = vector.shape_cast %get3A_367 : vector<1x16xf32> to vector<16xf32>
      %get3A_369 = arith.index_cast %scan3A_296 : i32 to index
      %get3A_370 = arith.constant 80 : index
      %get3A_371 = tpu.vector_load %arg16[%get3A_369, %get3A_370] {strides = array<i32>} : memref<64x128xf32, #tpu.memory_space<vmem>>, vector<1x16xf32>,
      %get3A_372 = vector.shape_cast %get3A_371 : vector<1x16xf32> to vector<16xf32>
      %mul3A_373 = arith.mulf %get3A_368, %get3A_372 : vector<16xf32>
      %swap3A_374 = arith.index_cast %scan3A_296 : i32 to index
      %swap3A_375 = arith.constant 80 : index
      %swap3A_376 = tpu.vector_load %arg9[%swap3A_374, %swap3A_375] {strides = array<i32>} : memref<64x128xf32, #tpu.memory_space<vmem>>, vector<1x16xf32>,
      %swap3A_377 = vector.shape_cast %swap3A_376 : vector<1x16xf32> to vector<16xf32>
      %swap3A_378 = vector.shape_cast %mul3A_373 : vector<16xf32> to vector<1x16xf32>
      tpu.vector_store %arg9[%swap3A_374, %swap3A_375], %swap3A_378 {strides = array<i32>} : memref<64x128xf32, #tpu.memory_space<vmem>>, vector<1x16xf32>,
      %get3A_379 = arith.index_cast %scan3A_296 : i32 to index
      %get3A_380 = arith.constant 96 : index
      %get3A_381 = tpu.vector_load %arg9[%get3A_379, %get3A_380] {strides = array<i32>} : memref<64x128xf32, #tpu.memory_space<vmem>>, vector<1x16xf32>,
      %get3A_382 = vector.shape_cast %get3A_381 : vector<1x16xf32> to vector<16xf32>
      %get3A_383 = arith.index_cast %scan3A_296 : i32 to index
      %get3A_384 = arith.constant 96 : index
      %get3A_385 = tpu.vector_load %arg16[%get3A_383, %get3A_384] {strides = array<i32>} : memref<64x128xf32, #tpu.memory_space<vmem>>, vector<1x16xf32>,
      %get3A_386 = vector.shape_cast %get3A_385 : vector<1x16xf32> to vector<16xf32>
      %mul3A_387 = arith.mulf %get3A_382, %get3A_386 : vector<16xf32>
      %swap3A_388 = arith.index_cast %scan3A_296 : i32 to index
      %swap3A_389 = arith.constant 96 : index
      %swap3A_390 = tpu.vector_load %arg9[%swap3A_388, %swap3A_389] {strides = array<i32>} : memref<64x128xf32, #tpu.memory_space<vmem>>, vector<1x16xf32>,
      %swap3A_391 = vector.shape_cast %swap3A_390 : vector<1x16xf32> to vector<16xf32>
      %swap3A_392 = vector.shape_cast %mul3A_387 : vector<16xf32> to vector<1x16xf32>
      tpu.vector_store %arg9[%swap3A_388, %swap3A_389], %swap3A_392 {strides = array<i32>} : memref<64x128xf32, #tpu.memory_space<vmem>>, vector<1x16xf32>,
      %get3A_393 = arith.index_cast %scan3A_296 : i32 to index
      %get3A_394 = arith.constant 112 : index
      %get3A_395 = tpu.vector_load %arg9[%get3A_393, %get3A_394] {strides = array<i32>} : memref<64x128xf32, #tpu.memory_space<vmem>>, vector<1x16xf32>,
      %get3A_396 = vector.shape_cast %get3A_395 : vector<1x16xf32> to vector<16xf32>
      %get3A_397 = arith.index_cast %scan3A_296 : i32 to index
      %get3A_398 = arith.constant 112 : index
      %get3A_399 = tpu.vector_load %arg16[%get3A_397, %get3A_398] {strides = array<i32>} : memref<64x128xf32, #tpu.memory_space<vmem>>, vector<1x16xf32>,
      %get3A_400 = vector.shape_cast %get3A_399 : vector<1x16xf32> to vector<16xf32>
      %mul3A_401 = arith.mulf %get3A_396, %get3A_400 : vector<16xf32>
      %swap3A_402 = arith.index_cast %scan3A_296 : i32 to index
      %swap3A_403 = arith.constant 112 : index
      %swap3A_404 = tpu.vector_load %arg9[%swap3A_402, %swap3A_403] {strides = array<i32>} : memref<64x128xf32, #tpu.memory_space<vmem>>, vector<1x16xf32>,
      %swap3A_405 = vector.shape_cast %swap3A_404 : vector<1x16xf32> to vector<16xf32>
      %swap3A_406 = vector.shape_cast %mul3A_401 : vector<16xf32> to vector<1x16xf32>
      tpu.vector_store %arg9[%swap3A_402, %swap3A_403], %swap3A_406 {strides = array<i32>} : memref<64x128xf32, #tpu.memory_space<vmem>>, vector<1x16xf32>,
    }
    %scan3A_261 = arith.constant 64 : i32
    %add3A_262 = arith.constant 448 : i32
    %add3A_263 = arith.addi %mul3A_2, %add3A_262 : i32
    %dma_start3A_264 = arith.constant 0 : i32
    %dma_start3A_265 = tpu.memref_slice %arg6[%add3A_263, %dma_start3A_264] : memref<16384x128xf32, #tpu.memory_space<hbm>> -> memref<64x128xf32, #tpu.memory_space<hbm>>
    %dma_start3A_266 = arith.constant 0 : i32
    %dma_start3A_267 = tpu.memref_slice %arg6[%add3A_263, %dma_start3A_266] : memref<16384x128xf32, #tpu.memory_space<hbm>> -> memref<64x128xf32, #tpu.memory_space<hbm>>
    tpu.enqueue_dma source(%arg9 : memref<64x128xf32, #tpu.memory_space<vmem>>) target(%dma_start3A_267 : memref<64x128xf32, #tpu.memory_space<hbm>>) target_semaphore(%arg31 : memref<!tpu.dma_semaphore, #tpu.memory_space<semaphore_mem>>)
    %dma_wait3A_268 = arith.constant 0 : i32
    %dma_wait3A_269 = tpu.memref_slice %arg6[%add3A_131, %dma_wait3A_268] : memref<16384x128xf32, #tpu.memory_space<hbm>> -> memref<64x128xf32, #tpu.memory_space<hbm>>
    %dma_wait3A_270 = arith.constant 0 : i32
    %dma_wait3A_271 = tpu.memref_slice %arg6[%add3A_131, %dma_wait3A_270] : memref<16384x128xf32, #tpu.memory_space<hbm>> -> memref<64x128xf32, #tpu.memory_space<hbm>>
    tpu.wait_dma2 semaphore(%arg32 : memref<!tpu.dma_semaphore, #tpu.memory_space<semaphore_mem>>) src(%arg10 : memref<64x128xf32, #tpu.memory_space<vmem>>) dst(%dma_wait3A_271 : memref<64x128xf32, #tpu.memory_space<hbm>>)
    %dma_wait3A_272 = arith.constant 0 : i32
    %dma_wait3A_273 = tpu.memref_slice %arg6[%add3A_153, %dma_wait3A_272] : memref<16384x128xf32, #tpu.memory_space<hbm>> -> memref<64x128xf32, #tpu.memory_space<hbm>>
    %dma_wait3A_274 = arith.constant 0 : i32
    %dma_wait3A_275 = tpu.memref_slice %arg6[%add3A_153, %dma_wait3A_274] : memref<16384x128xf32, #tpu.memory_space<hbm>> -> memref<64x128xf32, #tpu.memory_space<hbm>>
    tpu.wait_dma2 semaphore(%arg33 : memref<!tpu.dma_semaphore, #tpu.memory_space<semaphore_mem>>) src(%arg11 : memref<64x128xf32, #tpu.memory_space<vmem>>) dst(%dma_wait3A_275 : memref<64x128xf32, #tpu.memory_space<hbm>>)
    %dma_wait3A_276 = arith.constant 0 : i32
    %dma_wait3A_277 = tpu.memref_slice %arg6[%add3A_175, %dma_wait3A_276] : memref<16384x128xf32, #tpu.memory_space<hbm>> -> memref<64x128xf32, #tpu.memory_space<hbm>>
    %dma_wait3A_278 = arith.constant 0 : i32
    %dma_wait3A_279 = tpu.memref_slice %arg6[%add3A_175, %dma_wait3A_278] : memref<16384x128xf32, #tpu.memory_space<hbm>> -> memref<64x128xf32, #tpu.memory_space<hbm>>
    tpu.wait_dma2 semaphore(%arg34 : memref<!tpu.dma_semaphore, #tpu.memory_space<semaphore_mem>>) src(%arg12 : memref<64x128xf32, #tpu.memory_space<vmem>>) dst(%dma_wait3A_279 : memref<64x128xf32, #tpu.memory_space<hbm>>)
    %dma_wait3A_280 = arith.constant 0 : i32
    %dma_wait3A_281 = tpu.memref_slice %arg6[%add3A_197, %dma_wait3A_280] : memref<16384x128xf32, #tpu.memory_space<hbm>> -> memref<64x128xf32, #tpu.memory_space<hbm>>
    %dma_wait3A_282 = arith.constant 0 : i32
    %dma_wait3A_283 = tpu.memref_slice %arg6[%add3A_197, %dma_wait3A_282] : memref<16384x128xf32, #tpu.memory_space<hbm>> -> memref<64x128xf32, #tpu.memory_space<hbm>>
    tpu.wait_dma2 semaphore(%arg35 : memref<!tpu.dma_semaphore, #tpu.memory_space<semaphore_mem>>) src(%arg13 : memref<64x128xf32, #tpu.memory_space<vmem>>) dst(%dma_wait3A_283 : memref<64x128xf32, #tpu.memory_space<hbm>>)
    %dma_wait3A_284 = arith.constant 0 : i32
    %dma_wait3A_285 = tpu.memref_slice %arg6[%add3A_219, %dma_wait3A_284] : memref<16384x128xf32, #tpu.memory_space<hbm>> -> memref<64x128xf32, #tpu.memory_space<hbm>>
    %dma_wait3A_286 = arith.constant 0 : i32
    %dma_wait3A_287 = tpu.memref_slice %arg6[%add3A_219, %dma_wait3A_286] : memref<16384x128xf32, #tpu.memory_space<hbm>> -> memref<64x128xf32, #tpu.memory_space<hbm>>
    tpu.wait_dma2 semaphore(%arg36 : memref<!tpu.dma_semaphore, #tpu.memory_space<semaphore_mem>>) src(%arg14 : memref<64x128xf32, #tpu.memory_space<vmem>>) dst(%dma_wait3A_287 : memref<64x128xf32, #tpu.memory_space<hbm>>)
    %dma_wait3A_288 = arith.constant 0 : i32
    %dma_wait3A_289 = tpu.memref_slice %arg6[%add3A_241, %dma_wait3A_288] : memref<16384x128xf32, #tpu.memory_space<hbm>> -> memref<64x128xf32, #tpu.memory_space<hbm>>
    %dma_wait3A_290 = arith.constant 0 : i32
    %dma_wait3A_291 = tpu.memref_slice %arg6[%add3A_241, %dma_wait3A_290] : memref<16384x128xf32, #tpu.memory_space<hbm>> -> memref<64x128xf32, #tpu.memory_space<hbm>>
    tpu.wait_dma2 semaphore(%arg37 : memref<!tpu.dma_semaphore, #tpu.memory_space<semaphore_mem>>) src(%arg15 : memref<64x128xf32, #tpu.memory_space<vmem>>) dst(%dma_wait3A_291 : memref<64x128xf32, #tpu.memory_space<hbm>>)
    %dma_wait3A_292 = arith.constant 0 : i32
    %dma_wait3A_293 = tpu.memref_slice %arg6[%add3A_263, %dma_wait3A_292] : memref<16384x128xf32, #tpu.memory_space<hbm>> -> memref<64x128xf32, #tpu.memory_space<hbm>>
    %dma_wait3A_294 = arith.constant 0 : i32
    %dma_wait3A_295 = tpu.memref_slice %arg6[%add3A_263, %dma_wait3A_294] : memref<16384x128xf32, #tpu.memory_space<hbm>> -> memref<64x128xf32, #tpu.memory_space<hbm>>
    tpu.wait_dma2 semaphore(%arg31 : memref<!tpu.dma_semaphore, #tpu.memory_space<semaphore_mem>>) src(%arg9 : memref<64x128xf32, #tpu.memory_space<vmem>>) dst(%dma_wait3A_295 : memref<64x128xf32, #tpu.memory_space<hbm>>)
    return
  }
}

</mosaic_0001>

<sc_bundles>
// kernel: kernel.3.cloned.1.call-start
scs
__scs_entry_jumppad:
0x0: {  	(pc) =	sbr.rel $0x88, $3  }
0x1: {  	(tag) =	ssettag $0x0;
	lr =	simm.s32 $0x1  }
0x2: {  	[smem:$0x3F9D] =	sst lr;
	_ =	strace $0xD0000000  }
0x3: {  	_ = 	snop  }
0x4: {  	_ = 	snop  }
0x5: {  	_ = 	snop  }
0x6: {  	_ = 	snop  }
0x7: {  	_ = 	snop  }
__scs_overlays_trampoline_lowered:
0x8: {  	[smem:$0x3FAC] =	sst s0  }
0x9: {  	[smem:$0x3FAD] =	sst s1  }
0xa: {  	[smem:$0x3FAE] =	sst s2  }
0xb: {  	[smem:$0x3FAF] =	sst s3  }
0xc: {  	[smem:$0x3FB0] =	sst s4  }
0xd: {  	[smem:$0x3FB1] =	sst s5  }
0xe: {  	[smem:$0x3FB2] =	sst s6  }
0xf: {  	[smem:$0x3FB3] =	sst s7  }
0x10: {  	[smem:$0x3FB4] =	sst s8  }
0x11: {  	[smem:$0x3FB5] =	sst s9;
	s0 =	simm.s32 @!p0 $0x0  }
0x12: {  	s1 =	sld [smem:$0x3F9B];
	s0 =	simm.s32 @p0 $0x1  }
0x13: {  	[smem:$0x3FB6] =	sst s0;
	s0 =	simm.s32 @!p1 $0x0  }
0x14: {  	s2 =	sld [smem:$0x3F9A];
	s0 =	simm.s32 @p1 $0x1  }
0x15: {  	[smem:$0x3FB7] =	sst s0;
	s0 =	simm.s32 @!p2 $0x0  }
0x16: {  	s3 =	sld [smem:$0x3FDB];
	s0 =	simm.s32 @p2 $0x1  }
0x17: {  	s4 =	simm.s32 $0x1BF5;
	[smem:$0x3FB9] =	sst s0  }
0x18: {  	s0 =	sld [smem:$0x3F9C];
	_ =	swait.ge [sflag:s4], $0x0  }
0x19: {  	s7 =	sld [smem:$0x3F9D]  }
0x1a: {  	s8 =	sadd.s32 $0xFFFFE003, lr  }
0x1b: {  	s9 =	sadd.s32 $0xFFFFFEF7, lr;
	s5 =	simm.s32 $0xFFFFFFFF;
	p2 =	slt.u32 s8, $0xFFFFF086  }
0x1c: {  	p1 =	slt.u32 s9, $0xF7A;
	s5 =	simm.s32 @!p2 $0x0  }
0x1d: {  	s5 =	simm.s32 @p1 $0x1;
	p0 =	seq.s32 s7, s2  }
0x1e: {  	s7 =	smul.u32 @!p0 $0xF7A, s2;
	p2 =	seq.s32 @!p0 s5, $0x0  }
0x1f: {  	s9 =	smul.u32 $0xF7A, s1;
	s8 =	simm.s32 @!p0 $0x1BF5;
	p2 =	por !p2, p0  }
0x20: {  	[sflag:s8] =	ssyncset.s32 @!p0 $0xFFFFF086;
	s6 =	sadd.s32 @!p0 s3, s7;
	s7 =	simm.s32 @!p0 $0x108  }
0x21: {  	s3 =	sadd.s32 s3, s9;
	s6 =	sadd.s32 @!p0 $0x88, s6;
	s7 =	simm.s32 @p2 $0x1082  }
0x22: {  	[simem:s7], [sflag:s8] =	dma.local @!p0 [hbm:s6], $0xF7A  }
0x23: {  	s9 =	sor.u32 $0xD0000000, s2;
	s6 =	simm.s32 $0x108;
	_ =	swait.ge @!p0 [sflag:s8], $0x0  }
0x24: {  	s3 =	sadd.s32 $0x88, s3;
	s6 =	simm.s32 @!p1 $0x1082;
	[sflag:s4] =	ssyncset.s32 $0xFFFFF086  }
0x25: {  	[simem:s6], [sflag:s4] =	dma.local [hbm:s3], $0xF7A  }
0x26: {  	[smem:$0x3F9D] =	sst s1;
	(tag) =	ssettag s2;
	_ =	strace s9  }
0x27: {  	s1 =	sld [smem:$0x3FAD]  }
0x28: {  	s2 =	sld [smem:$0x3FAE]  }
0x29: {  	s4 =	sld [smem:$0x3FB0]  }
0x2a: {  	p0 =	seq.s32 s5, $0x0;
	s5 =	sld [smem:$0x3FB1]  }
0x2b: {  	s6 =	sld [smem:$0x3FB2]  }
0x2c: {  	s7 =	sld [smem:$0x3FB3]  }
0x2d: {  	s3 =	simm.s32 $0x108;
	s8 =	sld [smem:$0x3FB4]  }
0x2e: {  	s3 =	simm.s32 @!p0 $0x1082;
	s9 =	sld [smem:$0x3FB5]  }
0x2f: {  	lr =	sadd.s32 s0, s3;
	s0 =	sld [smem:$0x3FAC]  }
0x30: {  	s3 =	sld [smem:$0x3FAF]  }
0x31: {  	[smem:$0x3FB8] =	sst s10  }
0x32: {  	s10 =	sld [smem:$0x3FB6];
	_ =	sdelay $0x3  }
0x33: {  	p0 =	seq.s32 s10, $0x1;
	s10 =	sld [smem:$0x3FB8];
	_ =	sdelay $0x3  }
0x34: {  	[smem:$0x3FB8] =	sst s10  }
0x35: {  	s10 =	sld [smem:$0x3FB7];
	_ =	sdelay $0x3  }
0x36: {  	p1 =	seq.s32 s10, $0x1;
	s10 =	sld [smem:$0x3FB8];
	_ =	sdelay $0x3  }
0x37: {  	[smem:$0x3FB8] =	sst s10  }
0x38: {  	s10 =	sld [smem:$0x3FB9]  }
0x39: {  	_ = 	snop;
	(pc) =	sbr.ind lr, $3  }
0x3a: {  	_ = 	snop  }
0x3b: {  	_ = 	snop  }
0x3c: {  	p2 =	seq.s32 s10, $0x1;
	s10 =	sld [smem:$0x3FB8]  }
0x3d: {  	_ =	shalt  }
0x3e: {  	_ =	shalt  }
0x3f: {  	_ =	shalt  }
0x40: {  	_ =	shalt  }
0x41: {  	_ =	shalt  }
0x42: {  	_ =	shalt  }
0x43: {  	_ =	shalt  }
0x44: {  	_ =	shalt  }
0x45: {  	_ =	shalt  }
0x46: {  	_ =	shalt  }
0x47: {  	_ =	shalt  }
0x48: {  	_ =	shalt  }
0x49: {  	_ =	shalt  }
0x4a: {  	_ =	shalt  }
0x4b: {  	_ =	shalt  }
0x4c: {  	_ =	shalt  }
0x4d: {  	_ =	shalt  }
0x4e: {  	_ =	shalt  }
0x4f: {  	_ =	shalt  }
0x50: {  	_ =	shalt  }
0x51: {  	_ =	shalt  }
0x52: {  	_ =	shalt  }
0x53: {  	_ =	shalt  }
0x54: {  	_ =	shalt  }
0x55: {  	_ =	shalt  }
0x56: {  	_ =	shalt  }
0x57: {  	_ =	shalt  }
0x58: {  	_ =	shalt  }
0x59: {  	_ =	shalt  }
0x5a: {  	_ =	shalt  }
0x5b: {  	_ =	shalt  }
0x5c: {  	_ =	shalt  }
0x5d: {  	_ =	shalt  }
0x5e: {  	_ =	shalt  }
0x5f: {  	_ =	shalt  }
0x60: {  	_ =	shalt  }
0x61: {  	_ =	shalt  }
0x62: {  	_ =	shalt  }
0x63: {  	_ =	shalt  }
0x64: {  	_ =	shalt  }
0x65: {  	_ =	shalt  }
0x66: {  	_ =	shalt  }
0x67: {  	_ =	shalt  }
0x68: {  	_ =	shalt  }
0x69: {  	_ =	shalt  }
0x6a: {  	_ =	shalt  }
0x6b: {  	_ =	shalt  }
0x6c: {  	_ =	shalt  }
0x6d: {  	_ =	shalt  }
0x6e: {  	_ =	shalt  }
0x6f: {  	_ =	shalt  }
0x70: {  	_ =	shalt  }
0x71: {  	_ =	shalt  }
0x72: {  	_ =	shalt  }
0x73: {  	_ =	shalt  }
0x74: {  	_ =	shalt  }
0x75: {  	_ =	shalt  }
0x76: {  	_ =	shalt  }
0x77: {  	_ =	shalt  }
0x78: {  	_ =	shalt  }
0x79: {  	_ =	shalt  }
0x7a: {  	_ =	shalt  }
0x7b: {  	_ =	shalt  }
0x7c: {  	_ =	shalt  }
0x7d: {  	_ =	shalt  }
0x7e: {  	_ =	shalt  }
0x7f: {  	_ =	shalt  }
0x80: {  	_ =	shalt  }
0x81: {  	_ =	shalt  }
0x82: {  	_ =	shalt  }
0x83: {  	_ =	shalt  }
0x84: {  	_ =	shalt  }
0x85: {  	_ =	shalt  }
0x86: {  	_ =	shalt  }
0x87: {  	_ =	shalt  }
.Lfunc_end0:
.L_simem_size_0:
called_computation_lowered:
.L_overlay_start_0:
0x88: {  	s2 =	sld [smem:$0x3FD9]  }
0x89: {  	s3 =	sld [smem:$0x3FFE];
	_ =	sdelay $0x1  }
0x8a: {  	s1 =	srdreg.scid  }
0x8b: {  	s0 =	sand.u32 $0x1, s1  }
0x8c: {  	s18 =	sshll.u32 s0, $0xA;
	s2 =	sadd.s32 s3, s2  }
0x8d: {  	s2 =	sadd.s32 s2, s18  }
0x8e: {  	[smem:$0x3FC4] =	sst s2  }
0x8f: {  	_ = 	snop  }
0x90: {  	s2 =	sld [smem:$0x3FC9]  }
0x91: {  	s19 =	sld [smem:$0x3FC8]  }
0x92: {  	s4 =	sld [smem:$0x3FC7]  }
0x93: {  	s5 =	sld [smem:$0x3FC6]  }
0x94: {  	s6 =	sld [smem:$0x3FD0];
	(tm) =	ssettm $0x1  }
0x95: {  	s7 =	sld [smem:$0x3FFB];
	_ =	sdelay $0x3  }
0x96: {  	_ =	strace s7  }
0x97: {  	s7 =	sld [smem:$0x3FFC];
	_ =	sdelay $0x3  }
0x98: {  	_ =	strace s7  }
0x99: {  	s7 =	sld [smem:$0x3FFD];
	_ =	sdelay $0x3  }
0x9a: {  	_ =	strace s7  }
0x9b: {  	_ =	strace $0x8FFFFFFF  }
0x9c: {  	s20 =	sld [smem:$0x3FDB];
	_ =	sdelay $0x1  }
0x9d: {  	s8 =	simm.s32 $_scs_section_size  }
0x9e: {  	s9 =	simm.s32 $_size__tile_overlayer_lowered;
	s10 =	simm.s32 $_tile_overlayer_lowered  }
0x9f: {  	s23 =	simm.s32 $0x1BFF;
	s22 =	sshll.u32 s10, $0x1;
	s7 =	sadd.s32 s8, s20  }
0xa0: {  	s11 =	simm.s32 $0x0;
	s21 =	sshll.u32 s9, $0x1;
	s9 =	sadd.s32 s22, s7  }
0xa1: {  	[timem:s11], [sflag:s23] =	dma.local [hbm:s9], s21  }
0xa2: {  	_ =	swait.ge [sflag:s23], s21  }
0xa3: {  	s8 =	ssub.s32 $0x0, s21;
	[sflag:s23] =	ssyncset.done $0x0  }
0xa4: {  	[sflag:s23] =	ssyncadd.s32 s8;
	_ =	sdelay $0x1  }
0xa5: {  	s24 =	simm.s32 $0x1B8B  }
0xa6: {  	_ =	swait.ge [sflag:s24], $0x1  }
0xa7: {  	[sflag:s24] =	ssyncset.done $0x0  }
0xa8: {  	s25 =	simm.s32 $0x1B8E;
	[sflag:s24] =	ssyncadd.s32 $0xFFFFFFFF  }
0xa9: {  	s26 =	simm.s32 $execute0_lowered;
	[smem:$0x3FD2] =	sst s25  }
0xaa: {  	s8 =	sshll.u32 s26, $0x1;
	_ =	strace $0x80000046;
	[dreg:$0x1] =	wrdreg $0xFFFFFFFF  }
0xab: {  	s28 =	simm.s32 $_size_execute0_lowered;
	s7 =	sadd.s32 s7, s8;
	[dreg:$0x0] =	wrdreg $0x0  }
0xac: {  	s8 =	sshll.u32 s28, $0x1;
	[dreg:$0x2] =	wrdreg s7  }
0xad: {  	[dreg:$0x3] =	wrdreg s8  }
0xae: {  	[dreg:$0x4] =	wrdreg $0xC0  }
0xaf: {  	_ =	task [dreg:s11], $0x5FFFF  }
0xb0: {  	[dreg:$0x1] =	wrdreg $0xFFFFFFFF  }
0xb1: {  	[dreg:$0x0] =	wrdreg $0x60  }
0xb2: {  	[dreg:$0x2] =	wrdreg s2  }
0xb3: {  	[dreg:$0x3] =	wrdreg s19  }
0xb4: {  	[dreg:$0x4] =	wrdreg s4  }
0xb5: {  	[dreg:$0x5] =	wrdreg s5  }
0xb6: {  	[dreg:$0x6] =	wrdreg s6  }
0xb7: {  	[dreg:$0x7] =	wrdreg $0x9  }
0xb8: {  	_ =	task.clear_ibuf [dreg:s11], $0x8FFFF;
	_ =	strace $0x90000046  }
0xb9: {  	s29 =	simm.s32 $0x9;
	_ =	strace $0x80000048  }
0xba: {  	_ =	swait.ge [sflag:s29], $0x1  }
0xbb: {  	[sflag:s29] =	ssyncadd.s32 $0xFFFFFFFF  }
0xbc: {  	_ =	strace $0x90000048  }
0xbd: {  	_ =	sfence  }
0xbe: {  	s30 =	sld [smem:$0x0];
	_ =	sdelay $0x2  }
0xbf: {  	s31 =	sshll.u32 s1, $0xD;
	s1 =	sshrl.u32 s1, $0x2  }
0xc0: {  	s3 =	sand.u32 $0x4000, s31;
	s1 =	sadd.s32 s1, s30  }
0xc1: {  	s0 =	sor.u32 s3, s0;
	s1 =	sshll.u32 s1, $0x11  }
0xc2: {  	s0 =	sor.u32 s1, s0  }
0xc3: {  	s0 =	sadd.s32 $0x8F2B, s0  }
0xc4: {  	[sflag:s0] =	ssyncadd.remote.s32 $0x1  }
0xc5: {  	_ =	sfence.sel $0xFFFF  }
0xc6: {  	[dreg:$0x0] =	wrdreg $0xFFFFFFFF;
	(pc) =	sbr.abs _section_cstart, $3  }
0xc7: {  	[dreg:$0x1] =	wrdreg $0xFFFFFFFF  }
0xc8: {  	_ =	task.clear_ibuf [dreg:s11], $0x2FFFF;
	_ =	strace $0x9FFFFFFF  }
0xc9: {  	(tm) =	ssettm $0x7FFFFFFF  }
tec
execute0_lowered:
.L_overlay_start_1:
0x0: {  	(tag) =	ssettag $0x1  }
0x1: {  	s0 =	rddreg [dreg:$0x0]  }
0x2: {  	s3 =	rddreg [dreg:$0x1]  }
0x3: {  	s1 =	rddreg [dreg:$0x2]  }
0x4: {  	s2 =	rddreg [dreg:$0x3]  }
0x5: {  	s5 =	rddreg [dreg:$0x4];
	s6 =	srdreg.scid  }
0x6: {  	s4 =	simm.s32 $0x0;
	s7 =	stileid.u32;
	s17 =	simm.s32 $0x1  }
0x7: {  	s18 =	simm.s32 $0x40;
	s30 =	simm.s32 $0x6400;
	s28 =	simm.s32 $0xA400  }
0x8: {  	s29 =	simm.s32 $0x9;
	s31 =	simm.s32 $0x5;
	s16 =	simm.s32 $0x7  }
0x9: {  	s10 =	simm.s32 $0xF;
	s11 =	simm.s32 $0x0;
	s6 =	sand.u32 $0x1, s6  }
0xa: {  	[smem:$0x7FF] =	sst s4;
	s7 =	sshll.u32 s7, $0xA;
	s8 =	sshll.u32 s6, $0x9  }
0xb: {  	_ =	strace $0x80000047;
	s6 =	ssub.s32 $0x2, s6;
	s7 =	sor.u32 s8, s7  }
0xc: {  	s19 =	sshrl.u32 s6, $0x1;
	s9 =	sshrl.u32 s7, $0x3;
	s7 =	sshll.u32 s7, $0x4  }
0xd: {  	s8 =	ssub.s32 s6, s19;
	s19 =	simm.s32 $0x400;
	s0 =	sadd.s32 s0, s9  }
0xe: {  	s6 =	sadd.s32 s5, s7;
	s20 =	sadd.s32 s3, s9;
	s15 =	smax.u32 s8, $0x1  }
0xf: {  	s3 =	simm.s32 $0xC400;
	s5 =	simm.s32 $0x8;
	[dreg:$0x6] =	wrdreg s0  }
0x10: {  	s7 =	simm.s32 $0xB;
	[dreg:$0x7] =	wrdreg s20;
	s21 =	sadd.s32 $0x400, s6  }
0x11: {  	s8 =	simm.s32 $0xD;
	s22 =	sadd.s32 $0x800, s6;
	[dreg:$0x8] =	wrdreg s21  }
0x12: {  	s9 =	simm.s32 $0xE;
	s23 =	sadd.s32 $0xC00, s6;
	[dreg:$0x9] =	wrdreg s22  }
0x13: {  	s24 =	sadd.s32 $0x1000, s6;
	s25 =	sadd.s32 $0x1400, s6;
	[dreg:$0xa] =	wrdreg s23  }
0x14: {  	s26 =	sadd.s32 $0x1800, s6;
	s14 =	sadd.s32 $0x1C00, s6;
	[dreg:$0xb] =	wrdreg s24  }
0x15: {  	s0 =	simm.s32 $0x6;
	s20 =	simm.s32 $0xA;
	[dreg:$0xc] =	wrdreg s25  }
0x16: {  	[dreg:$0xd] =	wrdreg s26;
	s22 =	simm.s32 $0x8400;
	s26 =	simm.s32 $0x2  }
0x17: {  	s23 =	simm.s32 $0x3;
	s24 =	simm.s32 $0x4;
	s21 =	simm.s32 $0xC  }
.LBB2_1:
0x18: {  	s12 =	rddreg [dreg:$0x6]  }
0x19: {  	[tilespmem:s4], [sflag:$0x1] =	stream.linear.gather [hbm4b:s12+s4], $0x200, $0x38;
	[tilespmem:$0x1C400] =	vst v63  }
0x1a: {  	s25 =	rddreg [dreg:$0x7];
	s13 =	simm.s32 $0x200  }
0x1b: {  	[tilespmem:s13], [sflag:$0x1] =	stream.linear.gather [hbm4b:s25+s4], $0x200, $0x38;
	[tilespmem:$0x1C400] =	vst v63  }
0x1c: {  	_ =	swait.ge [sflag:s17], $0x200  }
0x1d: {  	[sflag:s17] =	ssyncset.done $0x0  }
0x1e: {  	[sflag:s17] =	ssyncadd.s32 $0xFFFFFE00  }
0x1f: {  	_ =	swait.ge [sflag:s17], $0x200  }
0x20: {  	[sflag:s17] =	ssyncset.done $0x0  }
0x21: {  	[sflag:s17] =	ssyncadd.s32 $0xFFFFFE00  }
0x22: {  	[tilespmem:s19], [sflag:$0x2] =	stream.indirect.gather [hbm4b:s1+s18], $0x80, s4, s18, $0xb8;
	[tilespmem:$0x1C400] =	vst v63  }
0x23: {  	s25 =	simm.s32 $0xE400  }
0x24: {  	[tilespmem:s25], [sflag:$0x2] =	stream.indirect.gather [hbm4b:s2+s18], $0x80, s13, s18, $0xb8;
	[tilespmem:$0x1C400] =	vst v63  }
0x25: {  	s25 =	simm.s32 $0x2400  }
0x26: {  	[tilespmem:s25], [sflag:$0x3] =	stream.indirect.gather [hbm4b:s1+s18], $0x80, s18, s18, $0xb8;
	[tilespmem:$0x1C400] =	vst v63  }
0x27: {  	s13 =	simm.s32 $0x240;
	s25 =	simm.s32 $0x10400  }
0x28: {  	[tilespmem:s25], [sflag:$0x3] =	stream.indirect.gather [hbm4b:s2+s18], $0x80, s13, s18, $0xb8;
	[tilespmem:$0x1C400] =	vst v63  }
0x29: {  	s13 =	simm.s32 $0x80;
	s25 =	simm.s32 $0x4400  }
0x2a: {  	[tilespmem:s25], [sflag:$0x4] =	stream.indirect.gather [hbm4b:s1+s18], $0x80, s13, s18, $0xb8;
	[tilespmem:$0x1C400] =	vst v63  }
0x2b: {  	s13 =	simm.s32 $0x280;
	s25 =	simm.s32 $0x12400  }
0x2c: {  	[tilespmem:s25], [sflag:$0x4] =	stream.indirect.gather [hbm4b:s2+s18], $0x80, s13, s18, $0xb8;
	[tilespmem:$0x1C400] =	vst v63  }
0x2d: {  	s25 =	simm.s32 $0xC0  }
0x2e: {  	[tilespmem:s30], [sflag:$0x5] =	stream.indirect.gather [hbm4b:s1+s18], $0x80, s25, s18, $0xb8;
	[tilespmem:$0x1C400] =	vst v63  }
0x2f: {  	s13 =	simm.s32 $0x2C0;
	s25 =	simm.s32 $0x14400  }
0x30: {  	[tilespmem:s25], [sflag:$0x5] =	stream.indirect.gather [hbm4b:s2+s18], $0x80, s13, s18, $0xb8;
	[tilespmem:$0x1C400] =	vst v63  }
0x31: {  	s25 =	simm.s32 $0x100  }
0x32: {  	[tilespmem:s22], [sflag:$0x6] =	stream.indirect.gather [hbm4b:s1+s18], $0x80, s25, s18, $0xb8;
	[tilespmem:$0x1C400] =	vst v63  }
0x33: {  	s13 =	simm.s32 $0x300;
	s25 =	simm.s32 $0x16400  }
0x34: {  	[tilespmem:s25], [sflag:$0x6] =	stream.indirect.gather [hbm4b:s2+s18], $0x80, s13, s18, $0xb8;
	[tilespmem:$0x1C400] =	vst v63  }
0x35: {  	s25 =	simm.s32 $0x140  }
0x36: {  	[tilespmem:s28], [sflag:$0x7] =	stream.indirect.gather [hbm4b:s1+s18], $0x80, s25, s18, $0xb8;
	[tilespmem:$0x1C400] =	vst v63  }
0x37: {  	s13 =	simm.s32 $0x340;
	s25 =	simm.s32 $0x18400  }
0x38: {  	[tilespmem:s25], [sflag:$0x7] =	stream.indirect.gather [hbm4b:s2+s18], $0x80, s13, s18, $0xb8;
	[tilespmem:$0x1C400] =	vst v63  }
0x39: {  	s25 =	simm.s32 $0x180  }
0x3a: {  	[tilespmem:s3], [sflag:$0x8] =	stream.indirect.gather [hbm4b:s1+s18], $0x80, s25, s18, $0xb8;
	[tilespmem:$0x1C400] =	vst v63  }
0x3b: {  	s13 =	simm.s32 $0x380;
	s25 =	simm.s32 $0x1A400  }
0x3c: {  	[tilespmem:s25], [sflag:$0x8] =	stream.indirect.gather [hbm4b:s2+s18], $0x80, s13, s18, $0xb8;
	[tilespmem:$0x1C400] =	vst v63  }
0x3d: {  	_ =	swait.ge [sflag:s26], $0x2000  }
0x3e: {  	[sflag:s26] =	ssyncset.done $0x0  }
0x3f: {  	[sflag:s26] =	ssyncadd.s32 $0xFFFFE000  }
0x40: {  	_ =	swait.ge [sflag:s26], $0x2000  }
0x41: {  	[sflag:s26] =	ssyncset.done $0x0  }
0x42: {  	s25 =	simm.s32 $0x0;
	[sflag:s26] =	ssyncadd.s32 $0xFFFFE000  }
0x43: {  	v7 =	vld [tilespmem:s25+$0xE400]  }
0x44: {  	v11 =	vld [tilespmem:s25+$0xE410]  }
0x45: {  	v5 =	vld [tilespmem:s25+$0xE420]  }
0x46: {  	v4 =	vld [tilespmem:s25+$0xE430]  }
0x47: {  	v3 =	vld [tilespmem:s25+$0xE440]  }
0x48: {  	v2 =	vld [tilespmem:s25+$0xE450]  }
0x49: {  	v1 =	vld [tilespmem:s25+$0xE460]  }
0x4a: {  	v0 =	vld [tilespmem:s25+$0xE470]  }
0x4b: {  	v12 =	vld [tilespmem:s25+$0x400]  }
0x4c: {  	v13 =	vld [tilespmem:s25+$0x410]  }
0x4d: {  	v10 =	vld [tilespmem:s25+$0x420]  }
0x4e: {  	v9 =	vld [tilespmem:s25+$0x430]  }
0x4f: {  	v8 =	vld [tilespmem:s25+$0x440]  }
0x50: {  	v6 =	vld [tilespmem:s25+$0x450];
	v12 =	vmul.f32 v7, v12  }
0x51: {  	s12 =	simm.s32 $0x200;
	v11 =	vmul.f32 v11, v13;
	v7 =	vld [tilespmem:s25+$0x460]  }
.LBB2_2:
0x52: {  	s13 =	sshra.s32 s12, $0x2;
	p0 =	sne.s32 s12, $0x7E00;
	[tilespmem:s25+$0x400] =	vst v12;
	v5 =	vmul.f32 v5, v10;
	v10 =	vld [tilespmem:s25+$0x470]  }
0x53: {  	v12 =	vld [tilespmem:s13+$0xE400];
	[tilespmem:s25+$0x410] =	vst v11;
	v4 =	vmul.f32 v4, v9  }
0x54: {  	v11 =	vld [tilespmem:s13+$0xE410];
	[tilespmem:s25+$0x420] =	vst v5;
	v3 =	vmul.f32 v3, v8  }
0x55: {  	v5 =	vld [tilespmem:s13+$0xE420];
	[tilespmem:s25+$0x430] =	vst v4;
	v2 =	vmul.f32 v2, v6  }
0x56: {  	v4 =	vld [tilespmem:s13+$0xE430];
	[tilespmem:s25+$0x440] =	vst v3;
	v1 =	vmul.f32 v1, v7  }
0x57: {  	v3 =	vld [tilespmem:s13+$0xE440];
	[tilespmem:s25+$0x450] =	vst v2;
	v0 =	vmul.f32 v0, v10  }
0x58: {  	v2 =	vld [tilespmem:s13+$0xE450];
	[tilespmem:s25+$0x460] =	vst v1  }
0x59: {  	v1 =	vld [tilespmem:s13+$0xE460];
	[tilespmem:s25+$0x470] =	vst v0;
	s25 =	smov.u32 s13  }
0x5a: {  	v0 =	vld [tilespmem:s25+$0xE470]  }
0x5b: {  	v6 =	vld [tilespmem:s25+$0x400]  }
0x5c: {  	v7 =	vld [tilespmem:s25+$0x410]  }
.Ltmp0:
0x5d: {  	v10 =	vld [tilespmem:s25+$0x420];
	(pc) =	sbr.rel @p0 .LBB2_2-.Ltmp0, $4  }
0x5e: {  	v9 =	vld [tilespmem:s25+$0x430]  }
0x5f: {  	v8 =	vld [tilespmem:s25+$0x440]  }
0x60: {  	v12 =	vmul.f32 v12, v6;
	v6 =	vld [tilespmem:s25+$0x450]  }
0x61: {  	s12 =	sadd.s32 $0x200, s12;
	v11 =	vmul.f32 v11, v7;
	v7 =	vld [tilespmem:s25+$0x460]  }
0x62: {  	[tilespmem:s25+$0x400] =	vst v12;
	v5 =	vmul.f32 v5, v10;
	v10 =	vld [tilespmem:s25+$0x470]  }
0x63: {  	[tilespmem:s25+$0x410] =	vst v11;
	v4 =	vmul.f32 v4, v9  }
0x64: {  	[tilespmem:s25+$0x420] =	vst v5;
	v3 =	vmul.f32 v3, v8  }
0x65: {  	[tilespmem:s25+$0x430] =	vst v4;
	v2 =	vmul.f32 v2, v6  }
0x66: {  	[tilespmem:s25+$0x440] =	vst v3;
	v1 =	vmul.f32 v1, v7  }
0x67: {  	[tilespmem:s25+$0x450] =	vst v2;
	v0 =	vmul.f32 v0, v10  }
0x68: {  	[tilespmem:s25+$0x460] =	vst v1  }
0x69: {  	s12 =	simm.s32 $0x0;
	[tilespmem:s25+$0x470] =	vst v0  }
0x6a: {  	[hbm4b:s6+s12] =	stream.linear.scatter [tilespmem:s19], [sflag:$0x9], $0x2000, $0x38;
	[tilespmem:$0x1C400] =	vst v63  }
0x6b: {  	_ =	swait.ge [sflag:s29], $0x2000  }
0x6c: {  	[sflag:s29] =	ssyncset.done $0x0  }
0x6d: {  	s13 =	simm.s32 $0x1C0;
	[sflag:s29] =	ssyncadd.s32 $0xFFFFE000  }
0x6e: {  	[tilespmem:s19], [sflag:$0x2] =	stream.indirect.gather [hbm4b:s1+s18], $0x80, s13, s18, $0xb8;
	[tilespmem:$0x1C400] =	vst v63  }
0x6f: {  	s25 =	simm.s32 $0xE400;
	s13 =	simm.s32 $0x3C0  }
0x70: {  	[tilespmem:s25], [sflag:$0x2] =	stream.indirect.gather [hbm4b:s2+s18], $0x80, s13, s18, $0xb8;
	[tilespmem:$0x1C400] =	vst v63  }
0x71: {  	_ =	swait.ge [sflag:s23], $0x2000  }
0x72: {  	[sflag:s23] =	ssyncset.done $0x0  }
0x73: {  	[sflag:s23] =	ssyncadd.s32 $0xFFFFE000  }
0x74: {  	_ =	swait.ge [sflag:s23], $0x2000  }
0x75: {  	[sflag:s23] =	ssyncset.done $0x0  }
0x76: {  	s25 =	simm.s32 $0x0;
	[sflag:s23] =	ssyncadd.s32 $0xFFFFE000  }
0x77: {  	v7 =	vld [tilespmem:s25+$0x10400]  }
0x78: {  	v11 =	vld [tilespmem:s25+$0x10410]  }
0x79: {  	v5 =	vld [tilespmem:s25+$0x10420]  }
0x7a: {  	v4 =	vld [tilespmem:s25+$0x10430]  }
0x7b: {  	v3 =	vld [tilespmem:s25+$0x10440]  }
0x7c: {  	v2 =	vld [tilespmem:s25+$0x10450]  }
0x7d: {  	v1 =	vld [tilespmem:s25+$0x10460]  }
0x7e: {  	v0 =	vld [tilespmem:s25+$0x10470]  }
0x7f: {  	v12 =	vld [tilespmem:s25+$0x2400]  }
0x80: {  	v13 =	vld [tilespmem:s25+$0x2410]  }
0x81: {  	v10 =	vld [tilespmem:s25+$0x2420]  }
0x82: {  	v9 =	vld [tilespmem:s25+$0x2430]  }
0x83: {  	v8 =	vld [tilespmem:s25+$0x2440]  }
0x84: {  	v6 =	vld [tilespmem:s25+$0x2450];
	v12 =	vmul.f32 v7, v12  }
0x85: {  	s12 =	simm.s32 $0x200;
	v11 =	vmul.f32 v11, v13;
	v7 =	vld [tilespmem:s25+$0x2460]  }
.LBB2_4:
0x86: {  	s13 =	sshra.s32 s12, $0x2;
	p0 =	sne.s32 s12, $0x7E00;
	[tilespmem:s25+$0x2400] =	vst v12;
	v5 =	vmul.f32 v5, v10;
	v10 =	vld [tilespmem:s25+$0x2470]  }
0x87: {  	v12 =	vld [tilespmem:s13+$0x10400];
	[tilespmem:s25+$0x2410] =	vst v11;
	v4 =	vmul.f32 v4, v9  }
0x88: {  	v11 =	vld [tilespmem:s13+$0x10410];
	[tilespmem:s25+$0x2420] =	vst v5;
	v3 =	vmul.f32 v3, v8  }
0x89: {  	v5 =	vld [tilespmem:s13+$0x10420];
	[tilespmem:s25+$0x2430] =	vst v4;
	v2 =	vmul.f32 v2, v6  }
0x8a: {  	v4 =	vld [tilespmem:s13+$0x10430];
	[tilespmem:s25+$0x2440] =	vst v3;
	v1 =	vmul.f32 v1, v7  }
0x8b: {  	v3 =	vld [tilespmem:s13+$0x10440];
	[tilespmem:s25+$0x2450] =	vst v2;
	v0 =	vmul.f32 v0, v10  }
0x8c: {  	v2 =	vld [tilespmem:s13+$0x10450];
	[tilespmem:s25+$0x2460] =	vst v1  }
0x8d: {  	v1 =	vld [tilespmem:s13+$0x10460];
	[tilespmem:s25+$0x2470] =	vst v0;
	s25 =	smov.u32 s13  }
0x8e: {  	v0 =	vld [tilespmem:s25+$0x10470]  }
0x8f: {  	v6 =	vld [tilespmem:s25+$0x2400]  }
0x90: {  	v7 =	vld [tilespmem:s25+$0x2410]  }
.Ltmp1:
0x91: {  	v10 =	vld [tilespmem:s25+$0x2420];
	(pc) =	sbr.rel @p0 .LBB2_4-.Ltmp1, $4  }
0x92: {  	v9 =	vld [tilespmem:s25+$0x2430]  }
0x93: {  	v8 =	vld [tilespmem:s25+$0x2440]  }
0x94: {  	v12 =	vmul.f32 v12, v6;
	v6 =	vld [tilespmem:s25+$0x2450]  }
0x95: {  	s12 =	sadd.s32 $0x200, s12;
	v11 =	vmul.f32 v11, v7;
	v7 =	vld [tilespmem:s25+$0x2460]  }
0x96: {  	[tilespmem:s25+$0x2400] =	vst v12;
	v5 =	vmul.f32 v5, v10;
	v10 =	vld [tilespmem:s25+$0x2470]  }
0x97: {  	[tilespmem:s25+$0x2410] =	vst v11;
	v4 =	vmul.f32 v4, v9  }
0x98: {  	[tilespmem:s25+$0x2420] =	vst v5;
	v3 =	vmul.f32 v3, v8  }
0x99: {  	[tilespmem:s25+$0x2430] =	vst v4;
	v2 =	vmul.f32 v2, v6  }
0x9a: {  	[tilespmem:s25+$0x2440] =	vst v3;
	v1 =	vmul.f32 v1, v7  }
0x9b: {  	[tilespmem:s25+$0x2450] =	vst v2;
	v0 =	vmul.f32 v0, v10  }
0x9c: {  	[tilespmem:s25+$0x2460] =	vst v1  }
0x9d: {  	s12 =	simm.s32 $0x0;
	s13 =	rddreg [dreg:$0x8];
	[tilespmem:s25+$0x2470] =	vst v0;
	s25 =	simm.s32 $0x2400  }
0x9e: {  	[hbm4b:s13+s12] =	stream.linear.scatter [tilespmem:s25], [sflag:$0xA], $0x2000, $0x38;
	[tilespmem:$0x1C400] =	vst v63  }
0x9f: {  	_ =	swait.ge [sflag:s24], $0x2000  }
0xa0: {  	[sflag:s24] =	ssyncset.done $0x0  }
0xa1: {  	[sflag:s24] =	ssyncadd.s32 $0xFFFFE000  }
0xa2: {  	_ =	swait.ge [sflag:s24], $0x2000  }
0xa3: {  	[sflag:s24] =	ssyncset.done $0x0  }
0xa4: {  	s25 =	simm.s32 $0x0;
	[sflag:s24] =	ssyncadd.s32 $0xFFFFE000  }
0xa5: {  	v7 =	vld [tilespmem:s25+$0x12400]  }
0xa6: {  	v11 =	vld [tilespmem:s25+$0x12410]  }
0xa7: {  	v5 =	vld [tilespmem:s25+$0x12420]  }
0xa8: {  	v4 =	vld [tilespmem:s25+$0x12430]  }
0xa9: {  	v3 =	vld [tilespmem:s25+$0x12440]  }
0xaa: {  	v2 =	vld [tilespmem:s25+$0x12450]  }
0xab: {  	v1 =	vld [tilespmem:s25+$0x12460]  }
0xac: {  	v0 =	vld [tilespmem:s25+$0x12470]  }
0xad: {  	v12 =	vld [tilespmem:s25+$0x4400]  }
0xae: {  	v13 =	vld [tilespmem:s25+$0x4410]  }
0xaf: {  	v10 =	vld [tilespmem:s25+$0x4420]  }
0xb0: {  	v9 =	vld [tilespmem:s25+$0x4430]  }
0xb1: {  	v8 =	vld [tilespmem:s25+$0x4440]  }
0xb2: {  	v6 =	vld [tilespmem:s25+$0x4450];
	v12 =	vmul.f32 v7, v12  }
0xb3: {  	s12 =	simm.s32 $0x200;
	v11 =	vmul.f32 v11, v13;
	v7 =	vld [tilespmem:s25+$0x4460]  }
.LBB2_6:
0xb4: {  	s13 =	sshra.s32 s12, $0x2;
	p0 =	sne.s32 s12, $0x7E00;
	[tilespmem:s25+$0x4400] =	vst v12;
	v5 =	vmul.f32 v5, v10;
	v10 =	vld [tilespmem:s25+$0x4470]  }
0xb5: {  	v12 =	vld [tilespmem:s13+$0x12400];
	[tilespmem:s25+$0x4410] =	vst v11;
	v4 =	vmul.f32 v4, v9  }
0xb6: {  	v11 =	vld [tilespmem:s13+$0x12410];
	[tilespmem:s25+$0x4420] =	vst v5;
	v3 =	vmul.f32 v3, v8  }
0xb7: {  	v5 =	vld [tilespmem:s13+$0x12420];
	[tilespmem:s25+$0x4430] =	vst v4;
	v2 =	vmul.f32 v2, v6  }
0xb8: {  	v4 =	vld [tilespmem:s13+$0x12430];
	[tilespmem:s25+$0x4440] =	vst v3;
	v1 =	vmul.f32 v1, v7  }
0xb9: {  	v3 =	vld [tilespmem:s13+$0x12440];
	[tilespmem:s25+$0x4450] =	vst v2;
	v0 =	vmul.f32 v0, v10  }
0xba: {  	v2 =	vld [tilespmem:s13+$0x12450];
	[tilespmem:s25+$0x4460] =	vst v1  }
0xbb: {  	v1 =	vld [tilespmem:s13+$0x12460];
	[tilespmem:s25+$0x4470] =	vst v0;
	s25 =	smov.u32 s13  }
0xbc: {  	v0 =	vld [tilespmem:s25+$0x12470]  }
0xbd: {  	v6 =	vld [tilespmem:s25+$0x4400]  }
0xbe: {  	v7 =	vld [tilespmem:s25+$0x4410]  }
.Ltmp2:
0xbf: {  	v10 =	vld [tilespmem:s25+$0x4420];
	(pc) =	sbr.rel @p0 .LBB2_6-.Ltmp2, $4  }
0xc0: {  	v9 =	vld [tilespmem:s25+$0x4430]  }
0xc1: {  	v8 =	vld [tilespmem:s25+$0x4440]  }
0xc2: {  	v12 =	vmul.f32 v12, v6;
	v6 =	vld [tilespmem:s25+$0x4450]  }
0xc3: {  	s12 =	sadd.s32 $0x200, s12;
	v11 =	vmul.f32 v11, v7;
	v7 =	vld [tilespmem:s25+$0x4460]  }
0xc4: {  	[tilespmem:s25+$0x4400] =	vst v12;
	v5 =	vmul.f32 v5, v10;
	v10 =	vld [tilespmem:s25+$0x4470]  }
0xc5: {  	[tilespmem:s25+$0x4410] =	vst v11;
	v4 =	vmul.f32 v4, v9  }
0xc6: {  	[tilespmem:s25+$0x4420] =	vst v5;
	v3 =	vmul.f32 v3, v8  }
0xc7: {  	[tilespmem:s25+$0x4430] =	vst v4;
	v2 =	vmul.f32 v2, v6  }
0xc8: {  	[tilespmem:s25+$0x4440] =	vst v3;
	v1 =	vmul.f32 v1, v7  }
0xc9: {  	[tilespmem:s25+$0x4450] =	vst v2;
	v0 =	vmul.f32 v0, v10  }
0xca: {  	[tilespmem:s25+$0x4460] =	vst v1  }
0xcb: {  	s12 =	simm.s32 $0x0;
	s13 =	rddreg [dreg:$0x9];
	[tilespmem:s25+$0x4470] =	vst v0;
	s25 =	simm.s32 $0x4400  }
0xcc: {  	[hbm4b:s13+s12] =	stream.linear.scatter [tilespmem:s25], [sflag:$0xB], $0x2000, $0x38;
	[tilespmem:$0x1C400] =	vst v63  }
0xcd: {  	_ =	swait.ge [sflag:s31], $0x2000  }
0xce: {  	[sflag:s31] =	ssyncset.done $0x0  }
0xcf: {  	[sflag:s31] =	ssyncadd.s32 $0xFFFFE000  }
0xd0: {  	_ =	swait.ge [sflag:s31], $0x2000  }
0xd1: {  	[sflag:s31] =	ssyncset.done $0x0  }
0xd2: {  	s25 =	simm.s32 $0x0;
	[sflag:s31] =	ssyncadd.s32 $0xFFFFE000  }
0xd3: {  	v7 =	vld [tilespmem:s25+$0x14400]  }
0xd4: {  	v11 =	vld [tilespmem:s25+$0x14410]  }
0xd5: {  	v5 =	vld [tilespmem:s25+$0x14420]  }
0xd6: {  	v4 =	vld [tilespmem:s25+$0x14430]  }
0xd7: {  	v3 =	vld [tilespmem:s25+$0x14440]  }
0xd8: {  	v2 =	vld [tilespmem:s25+$0x14450]  }
0xd9: {  	v1 =	vld [tilespmem:s25+$0x14460]  }
0xda: {  	v0 =	vld [tilespmem:s25+$0x14470]  }
0xdb: {  	v12 =	vld [tilespmem:s25+$0x6400]  }
0xdc: {  	v13 =	vld [tilespmem:s25+$0x6410]  }
0xdd: {  	v10 =	vld [tilespmem:s25+$0x6420]  }
0xde: {  	v9 =	vld [tilespmem:s25+$0x6430]  }
0xdf: {  	v8 =	vld [tilespmem:s25+$0x6440]  }
0xe0: {  	v6 =	vld [tilespmem:s25+$0x6450];
	v12 =	vmul.f32 v7, v12  }
0xe1: {  	s12 =	simm.s32 $0x200;
	v11 =	vmul.f32 v11, v13;
	v7 =	vld [tilespmem:s25+$0x6460]  }
.LBB2_8:
0xe2: {  	s13 =	sshra.s32 s12, $0x2;
	p0 =	sne.s32 s12, $0x7E00;
	[tilespmem:s25+$0x6400] =	vst v12;
	v5 =	vmul.f32 v5, v10;
	v10 =	vld [tilespmem:s25+$0x6470]  }
0xe3: {  	v12 =	vld [tilespmem:s13+$0x14400];
	[tilespmem:s25+$0x6410] =	vst v11;
	v4 =	vmul.f32 v4, v9  }
0xe4: {  	v11 =	vld [tilespmem:s13+$0x14410];
	[tilespmem:s25+$0x6420] =	vst v5;
	v3 =	vmul.f32 v3, v8  }
0xe5: {  	v5 =	vld [tilespmem:s13+$0x14420];
	[tilespmem:s25+$0x6430] =	vst v4;
	v2 =	vmul.f32 v2, v6  }
0xe6: {  	v4 =	vld [tilespmem:s13+$0x14430];
	[tilespmem:s25+$0x6440] =	vst v3;
	v1 =	vmul.f32 v1, v7  }
0xe7: {  	v3 =	vld [tilespmem:s13+$0x14440];
	[tilespmem:s25+$0x6450] =	vst v2;
	v0 =	vmul.f32 v0, v10  }
0xe8: {  	v2 =	vld [tilespmem:s13+$0x14450];
	[tilespmem:s25+$0x6460] =	vst v1  }
0xe9: {  	v1 =	vld [tilespmem:s13+$0x14460];
	[tilespmem:s25+$0x6470] =	vst v0;
	s25 =	smov.u32 s13  }
0xea: {  	v0 =	vld [tilespmem:s25+$0x14470]  }
0xeb: {  	v6 =	vld [tilespmem:s25+$0x6400]  }
0xec: {  	v7 =	vld [tilespmem:s25+$0x6410]  }
.Ltmp3:
0xed: {  	v10 =	vld [tilespmem:s25+$0x6420];
	(pc) =	sbr.rel @p0 .LBB2_8-.Ltmp3, $4  }
0xee: {  	v9 =	vld [tilespmem:s25+$0x6430]  }
0xef: {  	v8 =	vld [tilespmem:s25+$0x6440]  }
0xf0: {  	v12 =	vmul.f32 v12, v6;
	v6 =	vld [tilespmem:s25+$0x6450]  }
0xf1: {  	s12 =	sadd.s32 $0x200, s12;
	v11 =	vmul.f32 v11, v7;
	v7 =	vld [tilespmem:s25+$0x6460]  }
0xf2: {  	[tilespmem:s25+$0x6400] =	vst v12;
	v5 =	vmul.f32 v5, v10;
	v10 =	vld [tilespmem:s25+$0x6470]  }
0xf3: {  	[tilespmem:s25+$0x6410] =	vst v11;
	v4 =	vmul.f32 v4, v9  }
0xf4: {  	[tilespmem:s25+$0x6420] =	vst v5;
	v3 =	vmul.f32 v3, v8  }
0xf5: {  	[tilespmem:s25+$0x6430] =	vst v4;
	v2 =	vmul.f32 v2, v6  }
0xf6: {  	[tilespmem:s25+$0x6440] =	vst v3;
	v1 =	vmul.f32 v1, v7  }
0xf7: {  	[tilespmem:s25+$0x6450] =	vst v2;
	v0 =	vmul.f32 v0, v10  }
0xf8: {  	[tilespmem:s25+$0x6460] =	vst v1  }
0xf9: {  	s12 =	simm.s32 $0x0;
	s13 =	rddreg [dreg:$0xa];
	[tilespmem:s25+$0x6470] =	vst v0  }
0xfa: {  	[hbm4b:s13+s12] =	stream.linear.scatter [tilespmem:s30], [sflag:$0xC], $0x2000, $0x38;
	[tilespmem:$0x1C400] =	vst v63  }
0xfb: {  	_ =	swait.ge [sflag:s0], $0x2000  }
0xfc: {  	[sflag:s0] =	ssyncset.done $0x0  }
0xfd: {  	[sflag:s0] =	ssyncadd.s32 $0xFFFFE000  }
0xfe: {  	_ =	swait.ge [sflag:s0], $0x2000  }
0xff: {  	[sflag:s0] =	ssyncset.done $0x0  }
0x100: {  	s25 =	simm.s32 $0x0;
	[sflag:s0] =	ssyncadd.s32 $0xFFFFE000  }
0x101: {  	v7 =	vld [tilespmem:s25+$0x16400]  }
0x102: {  	v11 =	vld [tilespmem:s25+$0x16410]  }
0x103: {  	v5 =	vld [tilespmem:s25+$0x16420]  }
0x104: {  	v4 =	vld [tilespmem:s25+$0x16430]  }
0x105: {  	v3 =	vld [tilespmem:s25+$0x16440]  }
0x106: {  	v2 =	vld [tilespmem:s25+$0x16450]  }
0x107: {  	v1 =	vld [tilespmem:s25+$0x16460]  }
0x108: {  	v0 =	vld [tilespmem:s25+$0x16470]  }
0x109: {  	v12 =	vld [tilespmem:s25+$0x8400]  }
0x10a: {  	v13 =	vld [tilespmem:s25+$0x8410]  }
0x10b: {  	v10 =	vld [tilespmem:s25+$0x8420]  }
0x10c: {  	v9 =	vld [tilespmem:s25+$0x8430]  }
0x10d: {  	v8 =	vld [tilespmem:s25+$0x8440]  }
0x10e: {  	v6 =	vld [tilespmem:s25+$0x8450];
	v12 =	vmul.f32 v7, v12  }
0x10f: {  	s12 =	simm.s32 $0x200;
	v11 =	vmul.f32 v11, v13;
	v7 =	vld [tilespmem:s25+$0x8460]  }
.LBB2_10:
0x110: {  	s13 =	sshra.s32 s12, $0x2;
	p0 =	sne.s32 s12, $0x7E00;
	[tilespmem:s25+$0x8400] =	vst v12;
	v5 =	vmul.f32 v5, v10;
	v10 =	vld [tilespmem:s25+$0x8470]  }
0x111: {  	v12 =	vld [tilespmem:s13+$0x16400];
	[tilespmem:s25+$0x8410] =	vst v11;
	v4 =	vmul.f32 v4, v9  }
0x112: {  	v11 =	vld [tilespmem:s13+$0x16410];
	[tilespmem:s25+$0x8420] =	vst v5;
	v3 =	vmul.f32 v3, v8  }
0x113: {  	v5 =	vld [tilespmem:s13+$0x16420];
	[tilespmem:s25+$0x8430] =	vst v4;
	v2 =	vmul.f32 v2, v6  }
0x114: {  	v4 =	vld [tilespmem:s13+$0x16430];
	[tilespmem:s25+$0x8440] =	vst v3;
	v1 =	vmul.f32 v1, v7  }
0x115: {  	v3 =	vld [tilespmem:s13+$0x16440];
	[tilespmem:s25+$0x8450] =	vst v2;
	v0 =	vmul.f32 v0, v10  }
0x116: {  	v2 =	vld [tilespmem:s13+$0x16450];
	[tilespmem:s25+$0x8460] =	vst v1  }
0x117: {  	v1 =	vld [tilespmem:s13+$0x16460];
	[tilespmem:s25+$0x8470] =	vst v0;
	s25 =	smov.u32 s13  }
0x118: {  	v0 =	vld [tilespmem:s25+$0x16470]  }
0x119: {  	v6 =	vld [tilespmem:s25+$0x8400]  }
0x11a: {  	v7 =	vld [tilespmem:s25+$0x8410]  }
.Ltmp4:
0x11b: {  	v10 =	vld [tilespmem:s25+$0x8420];
	(pc) =	sbr.rel @p0 .LBB2_10-.Ltmp4, $4  }
0x11c: {  	v9 =	vld [tilespmem:s25+$0x8430]  }
0x11d: {  	v8 =	vld [tilespmem:s25+$0x8440]  }
0x11e: {  	v12 =	vmul.f32 v12, v6;
	v6 =	vld [tilespmem:s25+$0x8450]  }
0x11f: {  	s12 =	sadd.s32 $0x200, s12;
	v11 =	vmul.f32 v11, v7;
	v7 =	vld [tilespmem:s25+$0x8460]  }
0x120: {  	[tilespmem:s25+$0x8400] =	vst v12;
	v5 =	vmul.f32 v5, v10;
	v10 =	vld [tilespmem:s25+$0x8470]  }
0x121: {  	[tilespmem:s25+$0x8410] =	vst v11;
	v4 =	vmul.f32 v4, v9  }
0x122: {  	[tilespmem:s25+$0x8420] =	vst v5;
	v3 =	vmul.f32 v3, v8  }
0x123: {  	[tilespmem:s25+$0x8430] =	vst v4;
	v2 =	vmul.f32 v2, v6  }
0x124: {  	[tilespmem:s25+$0x8440] =	vst v3;
	v1 =	vmul.f32 v1, v7  }
0x125: {  	[tilespmem:s25+$0x8450] =	vst v2;
	v0 =	vmul.f32 v0, v10  }
0x126: {  	[tilespmem:s25+$0x8460] =	vst v1  }
0x127: {  	s12 =	simm.s32 $0x0;
	s13 =	rddreg [dreg:$0xb];
	[tilespmem:s25+$0x8470] =	vst v0  }
0x128: {  	[hbm4b:s13+s12] =	stream.linear.scatter [tilespmem:s22], [sflag:$0xD], $0x2000, $0x38;
	[tilespmem:$0x1C400] =	vst v63  }
0x129: {  	_ =	swait.ge [sflag:s16], $0x2000  }
0x12a: {  	[sflag:s16] =	ssyncset.done $0x0  }
0x12b: {  	[sflag:s16] =	ssyncadd.s32 $0xFFFFE000  }
0x12c: {  	_ =	swait.ge [sflag:s16], $0x2000  }
0x12d: {  	[sflag:s16] =	ssyncset.done $0x0  }
0x12e: {  	s25 =	simm.s32 $0x0;
	[sflag:s16] =	ssyncadd.s32 $0xFFFFE000  }
0x12f: {  	v7 =	vld [tilespmem:s25+$0x18400]  }
0x130: {  	v11 =	vld [tilespmem:s25+$0x18410]  }
0x131: {  	v5 =	vld [tilespmem:s25+$0x18420]  }
0x132: {  	v4 =	vld [tilespmem:s25+$0x18430]  }
0x133: {  	v3 =	vld [tilespmem:s25+$0x18440]  }
0x134: {  	v2 =	vld [tilespmem:s25+$0x18450]  }
0x135: {  	v1 =	vld [tilespmem:s25+$0x18460]  }
0x136: {  	v0 =	vld [tilespmem:s25+$0x18470]  }
0x137: {  	v12 =	vld [tilespmem:s25+$0xA400]  }
0x138: {  	v13 =	vld [tilespmem:s25+$0xA410]  }
0x139: {  	v10 =	vld [tilespmem:s25+$0xA420]  }
0x13a: {  	v9 =	vld [tilespmem:s25+$0xA430]  }
0x13b: {  	v8 =	vld [tilespmem:s25+$0xA440]  }
0x13c: {  	v6 =	vld [tilespmem:s25+$0xA450];
	v12 =	vmul.f32 v7, v12  }
0x13d: {  	s12 =	simm.s32 $0x200;
	v11 =	vmul.f32 v11, v13;
	v7 =	vld [tilespmem:s25+$0xA460]  }
.LBB2_12:
0x13e: {  	s13 =	sshra.s32 s12, $0x2;
	p0 =	sne.s32 s12, $0x7E00;
	[tilespmem:s25+$0xA400] =	vst v12;
	v5 =	vmul.f32 v5, v10;
	v10 =	vld [tilespmem:s25+$0xA470]  }
0x13f: {  	v12 =	vld [tilespmem:s13+$0x18400];
	[tilespmem:s25+$0xA410] =	vst v11;
	v4 =	vmul.f32 v4, v9  }
0x140: {  	v11 =	vld [tilespmem:s13+$0x18410];
	[tilespmem:s25+$0xA420] =	vst v5;
	v3 =	vmul.f32 v3, v8  }
0x141: {  	v5 =	vld [tilespmem:s13+$0x18420];
	[tilespmem:s25+$0xA430] =	vst v4;
	v2 =	vmul.f32 v2, v6  }
0x142: {  	v4 =	vld [tilespmem:s13+$0x18430];
	[tilespmem:s25+$0xA440] =	vst v3;
	v1 =	vmul.f32 v1, v7  }
0x143: {  	v3 =	vld [tilespmem:s13+$0x18440];
	[tilespmem:s25+$0xA450] =	vst v2;
	v0 =	vmul.f32 v0, v10  }
0x144: {  	v2 =	vld [tilespmem:s13+$0x18450];
	[tilespmem:s25+$0xA460] =	vst v1  }
0x145: {  	v1 =	vld [tilespmem:s13+$0x18460];
	[tilespmem:s25+$0xA470] =	vst v0;
	s25 =	smov.u32 s13  }
0x146: {  	v0 =	vld [tilespmem:s25+$0x18470]  }
0x147: {  	v6 =	vld [tilespmem:s25+$0xA400]  }
0x148: {  	v7 =	vld [tilespmem:s25+$0xA410]  }
.Ltmp5:
0x149: {  	v10 =	vld [tilespmem:s25+$0xA420];
	(pc) =	sbr.rel @p0 .LBB2_12-.Ltmp5, $4  }
0x14a: {  	v9 =	vld [tilespmem:s25+$0xA430]  }
0x14b: {  	v8 =	vld [tilespmem:s25+$0xA440]  }
0x14c: {  	v12 =	vmul.f32 v12, v6;
	v6 =	vld [tilespmem:s25+$0xA450]  }
0x14d: {  	s12 =	sadd.s32 $0x200, s12;
	v11 =	vmul.f32 v11, v7;
	v7 =	vld [tilespmem:s25+$0xA460]  }
0x14e: {  	[tilespmem:s25+$0xA400] =	vst v12;
	v5 =	vmul.f32 v5, v10;
	v10 =	vld [tilespmem:s25+$0xA470]  }
0x14f: {  	[tilespmem:s25+$0xA410] =	vst v11;
	v4 =	vmul.f32 v4, v9  }
0x150: {  	[tilespmem:s25+$0xA420] =	vst v5;
	v3 =	vmul.f32 v3, v8  }
0x151: {  	[tilespmem:s25+$0xA430] =	vst v4;
	v2 =	vmul.f32 v2, v6  }
0x152: {  	[tilespmem:s25+$0xA440] =	vst v3;
	v1 =	vmul.f32 v1, v7  }
0x153: {  	[tilespmem:s25+$0xA450] =	vst v2;
	v0 =	vmul.f32 v0, v10  }
0x154: {  	[tilespmem:s25+$0xA460] =	vst v1  }
0x155: {  	s12 =	simm.s32 $0x0;
	s13 =	rddreg [dreg:$0xc];
	[tilespmem:s25+$0xA470] =	vst v0  }
0x156: {  	[hbm4b:s13+s12] =	stream.linear.scatter [tilespmem:s28], [sflag:$0xE], $0x2000, $0x38;
	[tilespmem:$0x1C400] =	vst v63  }
0x157: {  	_ =	swait.ge [sflag:s5], $0x2000  }
0x158: {  	[sflag:s5] =	ssyncset.done $0x0  }
0x159: {  	[sflag:s5] =	ssyncadd.s32 $0xFFFFE000  }
0x15a: {  	_ =	swait.ge [sflag:s5], $0x2000  }
0x15b: {  	[sflag:s5] =	ssyncset.done $0x0  }
0x15c: {  	s25 =	simm.s32 $0x0;
	[sflag:s5] =	ssyncadd.s32 $0xFFFFE000  }
0x15d: {  	v7 =	vld [tilespmem:s25+$0x1A400]  }
0x15e: {  	v11 =	vld [tilespmem:s25+$0x1A410]  }
0x15f: {  	v5 =	vld [tilespmem:s25+$0x1A420]  }
0x160: {  	v4 =	vld [tilespmem:s25+$0x1A430]  }
0x161: {  	v3 =	vld [tilespmem:s25+$0x1A440]  }
0x162: {  	v2 =	vld [tilespmem:s25+$0x1A450]  }
0x163: {  	v1 =	vld [tilespmem:s25+$0x1A460]  }
0x164: {  	v0 =	vld [tilespmem:s25+$0x1A470]  }
0x165: {  	v12 =	vld [tilespmem:s25+$0xC400]  }
0x166: {  	v13 =	vld [tilespmem:s25+$0xC410]  }
0x167: {  	v10 =	vld [tilespmem:s25+$0xC420]  }
0x168: {  	v9 =	vld [tilespmem:s25+$0xC430]  }
0x169: {  	v8 =	vld [tilespmem:s25+$0xC440]  }
0x16a: {  	v6 =	vld [tilespmem:s25+$0xC450];
	v12 =	vmul.f32 v7, v12  }
0x16b: {  	s12 =	simm.s32 $0x200;
	v11 =	vmul.f32 v11, v13;
	v7 =	vld [tilespmem:s25+$0xC460]  }
.LBB2_14:
0x16c: {  	s13 =	sshra.s32 s12, $0x2;
	p0 =	sne.s32 s12, $0x7E00;
	[tilespmem:s25+$0xC400] =	vst v12;
	v5 =	vmul.f32 v5, v10;
	v10 =	vld [tilespmem:s25+$0xC470]  }
0x16d: {  	v12 =	vld [tilespmem:s13+$0x1A400];
	[tilespmem:s25+$0xC410] =	vst v11;
	v4 =	vmul.f32 v4, v9  }
0x16e: {  	v11 =	vld [tilespmem:s13+$0x1A410];
	[tilespmem:s25+$0xC420] =	vst v5;
	v3 =	vmul.f32 v3, v8  }
0x16f: {  	v5 =	vld [tilespmem:s13+$0x1A420];
	[tilespmem:s25+$0xC430] =	vst v4;
	v2 =	vmul.f32 v2, v6  }
0x170: {  	v4 =	vld [tilespmem:s13+$0x1A430];
	[tilespmem:s25+$0xC440] =	vst v3;
	v1 =	vmul.f32 v1, v7  }
0x171: {  	v3 =	vld [tilespmem:s13+$0x1A440];
	[tilespmem:s25+$0xC450] =	vst v2;
	v0 =	vmul.f32 v0, v10  }
0x172: {  	v2 =	vld [tilespmem:s13+$0x1A450];
	[tilespmem:s25+$0xC460] =	vst v1  }
0x173: {  	v1 =	vld [tilespmem:s13+$0x1A460];
	[tilespmem:s25+$0xC470] =	vst v0;
	s25 =	smov.u32 s13  }
0x174: {  	v0 =	vld [tilespmem:s25+$0x1A470]  }
0x175: {  	v6 =	vld [tilespmem:s25+$0xC400]  }
0x176: {  	v7 =	vld [tilespmem:s25+$0xC410]  }
.Ltmp6:
0x177: {  	v10 =	vld [tilespmem:s25+$0xC420];
	(pc) =	sbr.rel @p0 .LBB2_14-.Ltmp6, $4  }
0x178: {  	v9 =	vld [tilespmem:s25+$0xC430]  }
0x179: {  	v8 =	vld [tilespmem:s25+$0xC440]  }
0x17a: {  	v12 =	vmul.f32 v12, v6;
	v6 =	vld [tilespmem:s25+$0xC450]  }
0x17b: {  	s12 =	sadd.s32 $0x200, s12;
	v11 =	vmul.f32 v11, v7;
	v7 =	vld [tilespmem:s25+$0xC460]  }
0x17c: {  	[tilespmem:s25+$0xC400] =	vst v12;
	v5 =	vmul.f32 v5, v10;
	v10 =	vld [tilespmem:s25+$0xC470]  }
0x17d: {  	[tilespmem:s25+$0xC410] =	vst v11;
	v4 =	vmul.f32 v4, v9  }
0x17e: {  	[tilespmem:s25+$0xC420] =	vst v5;
	v3 =	vmul.f32 v3, v8  }
0x17f: {  	[tilespmem:s25+$0xC430] =	vst v4;
	v2 =	vmul.f32 v2, v6  }
0x180: {  	[tilespmem:s25+$0xC440] =	vst v3;
	v1 =	vmul.f32 v1, v7  }
0x181: {  	[tilespmem:s25+$0xC450] =	vst v2;
	v0 =	vmul.f32 v0, v10  }
0x182: {  	[tilespmem:s25+$0xC460] =	vst v1  }
0x183: {  	s12 =	simm.s32 $0x0;
	s13 =	rddreg [dreg:$0xd];
	[tilespmem:s25+$0xC470] =	vst v0  }
0x184: {  	[hbm4b:s13+s12] =	stream.linear.scatter [tilespmem:s3], [sflag:$0xF], $0x2000, $0x38;
	[tilespmem:$0x1C400] =	vst v63  }
0x185: {  	_ =	swait.ge [sflag:s26], $0x2000  }
0x186: {  	[sflag:s26] =	ssyncset.done $0x0  }
0x187: {  	[sflag:s26] =	ssyncadd.s32 $0xFFFFE000  }
0x188: {  	_ =	swait.ge [sflag:s26], $0x2000  }
0x189: {  	[sflag:s26] =	ssyncset.done $0x0  }
0x18a: {  	s25 =	simm.s32 $0x0;
	[sflag:s26] =	ssyncadd.s32 $0xFFFFE000  }
0x18b: {  	v7 =	vld [tilespmem:s25+$0xE400]  }
0x18c: {  	v11 =	vld [tilespmem:s25+$0xE410]  }
0x18d: {  	v5 =	vld [tilespmem:s25+$0xE420]  }
0x18e: {  	v4 =	vld [tilespmem:s25+$0xE430]  }
0x18f: {  	v3 =	vld [tilespmem:s25+$0xE440]  }
0x190: {  	v2 =	vld [tilespmem:s25+$0xE450]  }
0x191: {  	v1 =	vld [tilespmem:s25+$0xE460]  }
0x192: {  	v0 =	vld [tilespmem:s25+$0xE470]  }
0x193: {  	v12 =	vld [tilespmem:s25+$0x400]  }
0x194: {  	v13 =	vld [tilespmem:s25+$0x410]  }
0x195: {  	v10 =	vld [tilespmem:s25+$0x420]  }
0x196: {  	v9 =	vld [tilespmem:s25+$0x430]  }
0x197: {  	v8 =	vld [tilespmem:s25+$0x440]  }
0x198: {  	v6 =	vld [tilespmem:s25+$0x450];
	v12 =	vmul.f32 v7, v12  }
0x199: {  	s12 =	simm.s32 $0x200;
	v11 =	vmul.f32 v11, v13;
	v7 =	vld [tilespmem:s25+$0x460]  }
.LBB2_16:
0x19a: {  	s13 =	sshra.s32 s12, $0x2;
	p0 =	sne.s32 s12, $0x7E00;
	[tilespmem:s25+$0x400] =	vst v12;
	v5 =	vmul.f32 v5, v10;
	v10 =	vld [tilespmem:s25+$0x470]  }
0x19b: {  	v12 =	vld [tilespmem:s13+$0xE400];
	[tilespmem:s25+$0x410] =	vst v11;
	v4 =	vmul.f32 v4, v9  }
0x19c: {  	v11 =	vld [tilespmem:s13+$0xE410];
	[tilespmem:s25+$0x420] =	vst v5;
	v3 =	vmul.f32 v3, v8  }
0x19d: {  	v5 =	vld [tilespmem:s13+$0xE420];
	[tilespmem:s25+$0x430] =	vst v4;
	v2 =	vmul.f32 v2, v6  }
0x19e: {  	v4 =	vld [tilespmem:s13+$0xE430];
	[tilespmem:s25+$0x440] =	vst v3;
	v1 =	vmul.f32 v1, v7  }
0x19f: {  	v3 =	vld [tilespmem:s13+$0xE440];
	[tilespmem:s25+$0x450] =	vst v2;
	v0 =	vmul.f32 v0, v10  }
0x1a0: {  	v2 =	vld [tilespmem:s13+$0xE450];
	[tilespmem:s25+$0x460] =	vst v1  }
0x1a1: {  	v1 =	vld [tilespmem:s13+$0xE460];
	[tilespmem:s25+$0x470] =	vst v0;
	s25 =	smov.u32 s13  }
0x1a2: {  	v0 =	vld [tilespmem:s25+$0xE470]  }
0x1a3: {  	v6 =	vld [tilespmem:s25+$0x400]  }
0x1a4: {  	v7 =	vld [tilespmem:s25+$0x410]  }
.Ltmp7:
0x1a5: {  	v10 =	vld [tilespmem:s25+$0x420];
	(pc) =	sbr.rel @p0 .LBB2_16-.Ltmp7, $4  }
0x1a6: {  	v9 =	vld [tilespmem:s25+$0x430]  }
0x1a7: {  	v8 =	vld [tilespmem:s25+$0x440]  }
0x1a8: {  	v12 =	vmul.f32 v12, v6;
	v6 =	vld [tilespmem:s25+$0x450]  }
0x1a9: {  	s12 =	sadd.s32 $0x200, s12;
	v11 =	vmul.f32 v11, v7;
	v7 =	vld [tilespmem:s25+$0x460]  }
0x1aa: {  	[tilespmem:s25+$0x400] =	vst v12;
	v5 =	vmul.f32 v5, v10;
	v63 =	vld [tilespmem:s25+$0x470]  }
0x1ab: {  	[tilespmem:s25+$0x410] =	vst v11;
	v4 =	vmul.f32 v4, v9  }
0x1ac: {  	[tilespmem:s25+$0x420] =	vst v5;
	v3 =	vmul.f32 v3, v8  }
0x1ad: {  	[tilespmem:s25+$0x430] =	vst v4;
	v2 =	vmul.f32 v2, v6  }
0x1ae: {  	[tilespmem:s25+$0x440] =	vst v3;
	v1 =	vmul.f32 v1, v7  }
0x1af: {  	[tilespmem:s25+$0x450] =	vst v2;
	v0 =	vmul.f32 v0, v63  }
0x1b0: {  	[tilespmem:s25+$0x460] =	vst v1  }
0x1b1: {  	[tilespmem:s25+$0x470] =	vst v0  }
0x1b2: {  	[hbm4b:s14+s4] =	stream.linear.scatter [tilespmem:s19], [sflag:$0x9], $0x2000, $0x38;
	[tilespmem:$0x1C400] =	vst v63  }
0x1b3: {  	_ =	swait.ge [sflag:s20], $0x2000  }
0x1b4: {  	[sflag:s20] =	ssyncset.done $0x0  }
0x1b5: {  	[sflag:s20] =	ssyncadd.s32 $0xFFFFE000  }
0x1b6: {  	_ =	swait.ge [sflag:s7], $0x2000  }
0x1b7: {  	[sflag:s7] =	ssyncset.done $0x0  }
0x1b8: {  	[sflag:s7] =	ssyncadd.s32 $0xFFFFE000  }
0x1b9: {  	_ =	swait.ge [sflag:s21], $0x2000  }
0x1ba: {  	[sflag:s21] =	ssyncset.done $0x0  }
0x1bb: {  	[sflag:s21] =	ssyncadd.s32 $0xFFFFE000  }
0x1bc: {  	_ =	swait.ge [sflag:s8], $0x2000  }
0x1bd: {  	[sflag:s8] =	ssyncset.done $0x0  }
0x1be: {  	[sflag:s8] =	ssyncadd.s32 $0xFFFFE000  }
0x1bf: {  	_ =	swait.ge [sflag:s9], $0x2000  }
0x1c0: {  	[sflag:s9] =	ssyncset.done $0x0  }
0x1c1: {  	s11 =	sadd.s32 $0x1, s11;
	[sflag:s9] =	ssyncadd.s32 $0xFFFFE000  }
0x1c2: {  	p0 =	sne.s32 s11, s15;
	_ =	swait.ge [sflag:s10], $0x2000  }
.Ltmp8:
0x1c3: {  	[sflag:s10] =	ssyncset.done $0x0;
	(pc) =	sbr.rel @p0 .LBB2_1-.Ltmp8, $4  }
0x1c4: {  	[sflag:s10] =	ssyncadd.s32 $0xFFFFE000  }
0x1c5: {  	_ =	swait.ge [sflag:s29], $0x2000  }
0x1c6: {  	[sflag:s29] =	ssyncset.done $0x0  }
0x1c7: {  	[sflag:s29] =	ssyncadd.s32 $0xFFFFE000  }
0x1c8: {  	_ =	sfence.sel $0x180000  }
0x1c9: {  	[bflag:$0x0] =	sbarrier.arrive $0xFFFF  }
0x1ca: {  	_ =	strace $0x90000047  }
0x1cb: {  	s0 =	stileid.u32;
	[bflag:$0x2] =	sbarrier.arrive $0xFFFF  }
0x1cc: {  	p0 =	sne.s32 s0, $0x0;
	s0 =	rddreg [dreg:$0x5]  }
0x1cd: {  	s0 =	sadd.s32 @!p0 $0x100000, s0  }
0x1ce: {  	[sflag:s0] =	ssyncadd.tile.s32 @!p0 $0x1;
	_ =	shalt  }
.Lfunc_end2:
_tile_overlayer_lowered:
.L_overlay_start_2:
0x1cf: {  	(tag) =	ssettag $0x2  }
0x1d0: {  	s0 =	rddreg [dreg:$0x0];
	s2 =	stileid.u32  }
0x1d1: {  	s1 =	rddreg [dreg:$0x1];
	p0 =	sne.s32 s2, $0x0  }
0x1d2: {  	s3 =	rddreg [dreg:$0x2];
	[bflag:$0x3] =	sbarrier.arrive $0xFFFF;
	s2 =	simm.s32 @!p0 $0x1C10  }
0x1d3: {  	[timem:s3], [sflag:s2] =	dma.local @!p0 [hbm:s0], s1  }
0x1d4: {  	s0 =	simm.s32 @!p0 $0x10  }
0x1d5: {  	_ =	swait.ge @!p0 [sflag:s0], s1  }
0x1d6: {  	s1 =	ssub.s32 @!p0 $0x0, s1;
	[sflag:s0] =	ssyncset.done @!p0 $0x0  }
0x1d7: {  	[sflag:s0] =	ssyncadd.s32 @!p0 s1  }
0x1d8: {  	[bflag:$0x3] =	sbarrier.arrive $0xFFFF  }
0x1d9: {  	_ =	shalt  }

</sc_bundles>
